<compile_context>
chip_gen: v7x
topology: tpu7x:2x2x1
jax: 0.10.2.dev20260603
libtpu: 0.0.44.dev20260713+nightly
codegen_flags: <defaults>
</compile_context>

<pallas_src>
import jax
import jax.numpy as jnp
from jax import lax
from jax.experimental import pallas as pl
from jax.experimental.pallas import tpu as pltpu
from jax.experimental.pallas import tpu_sc as plsc

N = 10000
NU = 2000
NI = 8000
D = 128
H3 = 64
E = 320000
NPAD = 10240
RPT = NPAD // 16
NC = 2
NS = 16
NW = NC * NS
CH = 128
NCH0 = 92
NCH1 = 65
EPT0 = NCH0 * CH
EPT1 = NCH1 * CH
EPTMAX = max(EPT0, EPT1)
EPAD = NS * (EPT0 + EPT1)
EPALLOC = EPAD + abs(EPT0 - EPT1)
L = 16

_sc_mesh = plsc.VectorSubcoreMesh(core_axis_name="c", subcore_axis_name="s")


def _sc_degree_body(dsts_hbm, out_hbm, dst_v, hist_v, red_v, res_v, hall_sh):
    c = lax.axis_index("c")
    s = lax.axis_index("s")

    def zero_hist(i, _):
        hist_v[pl.ds(i * L, L)] = jnp.zeros((L,), jnp.float32)
        return 0

    lax.fori_loop(0, NPAD // L, zero_hist, 0)
    nch = lax.select(c == 0, NCH0, NCH1)
    base0 = lax.select(c == 0, s * EPT0, NS * EPT0 + s * EPT1)
    pltpu.sync_copy(dsts_hbm.at[pl.ds(pl.multiple_of(base0, CH), EPTMAX)],
                    dst_v)
    one = jnp.ones((L,), jnp.float32)

    def body(k, _):
        idx = dst_v[pl.ds(k * L, L)]
        plsc.addupdate_scatter(hist_v, [idx], one)
        return 0

    lax.fori_loop(0, nch * (CH // L), body, 0)
    pltpu.sync_copy(hist_v, hall_sh.at[s])
    plsc.subcore_barrier()
    pltpu.sync_copy(hall_sh.at[:, pl.ds(s * RPT, RPT)], red_v)

    def red(j, _):
        acc = jnp.zeros((L,), jnp.float32)
        for r in range(NS):
            acc = acc + red_v[r, pl.ds(j * L, L)]
        res_v[pl.ds(j * L, L)] = acc
        return 0

    lax.fori_loop(0, RPT // L, red, 0)
    pltpu.sync_copy(res_v, out_hbm.at[pl.ds(c * NPAD + s * RPT, RPT)])


def _make_sc_degree(interpret=False):
    return pl.kernel(
        _sc_degree_body,
        out_type=jax.ShapeDtypeStruct((2 * NPAD,), jnp.float32),
        mesh=_sc_mesh,
        scratch_types=[
            pltpu.VMEM((EPTMAX,), jnp.int32),
            pltpu.VMEM((NPAD,), jnp.float32),
            pltpu.VMEM((NS, RPT), jnp.float32),
            pltpu.VMEM((RPT,), jnp.float32),
            pltpu.VMEM_SHARED((NS, NPAD), jnp.float32),
        ],
        compiler_params=pltpu.CompilerParams(needs_layout_passes=False),
        interpret=interpret,
    )


NCHMAX = max(NCH0, NCH1)


def _sc_scatter_body(m_hbm, srcs_hbm, dsts_hbm, out_hbm,
                     src_all, dst_all, rows_a, acc_sh, sem_ga):
    c = lax.axis_index("c")
    s = lax.axis_index("s")
    pltpu.sync_copy(m_hbm.at[pl.ds(s * RPT, RPT)],
                    acc_sh.at[pl.ds(s * RPT, RPT)])

    nch = lax.select(c == 0, NCH0, NCH1)
    chunk0 = lax.select(c == 0, s * NCH0, NS * NCH0 + s * NCH1)
    pltpu.sync_copy(srcs_hbm.at[pl.ds(chunk0, NCHMAX)], src_all)
    pltpu.sync_copy(dsts_hbm.at[pl.ds(chunk0, NCHMAX)], dst_all)
    plsc.subcore_barrier()

    def body(k, _):
        pltpu.async_copy(m_hbm.at[src_all.at[k]], rows_a, sem_ga).wait()
        pltpu.sync_copy(rows_a, acc_sh.at[dst_all.at[k]], add=True)
        return 0

    lax.fori_loop(0, nch, body, 0)
    plsc.subcore_barrier()
    pltpu.sync_copy(acc_sh.at[pl.ds(s * RPT, RPT)],
                    out_hbm.at[pl.ds(c * NPAD + s * RPT, RPT)])


def _make_sc_scatter(interpret=False):
    return pl.kernel(
        _sc_scatter_body,
        out_type=jax.ShapeDtypeStruct((2 * NPAD, D), jnp.float32),
        mesh=_sc_mesh,
        scratch_types=[
            pltpu.VMEM((NCHMAX, CH), jnp.int32),
            pltpu.VMEM((NCHMAX, CH), jnp.int32),
            pltpu.VMEM((CH, D), jnp.float32),
            pltpu.VMEM_SHARED((NPAD, D), jnp.float32),
            pltpu.SemaphoreType.DMA,
        ],
        compiler_params=pltpu.CompilerParams(use_tc_tiling_on_sc=False),
        interpret=interpret,
    )


_sc_degree = _make_sc_degree()
_sc_scatter = _make_sc_scatter()


def _mm_scale_body(h_ref, d0_ref, d1_ref, w_ref, o_ref):
    dinv = lax.rsqrt(1.0 + d0_ref[...] + d1_ref[...])
    o_ref[...] = jnp.dot(h_ref[...], w_ref[...],
                         preferred_element_type=jnp.float32) * dinv


def _conv_out_mm_body(s0_ref, s1_ref, m_ref, d0_ref, d1_ref, b_ref, w_ref,
                      o_ref):
    dinv = lax.rsqrt(1.0 + d0_ref[...] + d1_ref[...])
    h = jnp.maximum(
        (s0_ref[0] + s1_ref[0] - m_ref[...]) * dinv + b_ref[...], 0.0)
    o_ref[...] = jnp.dot(h, w_ref[...],
                         preferred_element_type=jnp.float32) * dinv


def _conv_out_head_body(s0_ref, s1_ref, m_ref, d0_ref, d1_ref, b2_ref, w3_ref,
                        b3_ref, o_ref):
    dinv = lax.rsqrt(1.0 + d0_ref[...] + d1_ref[...])
    h = jnp.maximum(
        (s0_ref[0] + s1_ref[0] - m_ref[...]) * dinv + b2_ref[...], 0.0)
    o_ref[...] = jnp.maximum(
        jnp.dot(h, w3_ref[...], preferred_element_type=jnp.float32)
        + b3_ref[...], 0.0)


def _scores_body(u_ref, it_ref, o_ref):
    s = lax.dot_general(u_ref[...], it_ref[...],
                        (((1,), (1,)), ((), ())),
                        preferred_element_type=jnp.float32)
    o_ref[...] = jnp.clip(s, 1.0, 5.0)


_ROWB = 256
_NROWB = NPAD // _ROWB

_row_spec = pl.BlockSpec((_ROWB, D), lambda i: (i, 0))
_dinv_spec = pl.BlockSpec((_ROWB, 1), lambda i: (i, 0))


def _full(shape):
    return pl.BlockSpec(shape, lambda i: tuple(0 for _ in shape))


def kernel(x, edge_index, num_users, emb, W1, b1, W2, b2, W3, b3):
    f32 = jnp.float32
    src = jnp.pad(edge_index[0], (0, EPALLOC - E), constant_values=N)
    dst = jnp.pad(edge_index[1], (0, EPALLOC - E), constant_values=N)
    src2d = src.reshape(EPALLOC // CH, CH)
    dst2d = dst.reshape(EPALLOC // CH, CH)

    h0 = jnp.concatenate([
        jnp.broadcast_to(emb[0:1], (NU, D)),
        emb[1:NI + 1],
        jnp.zeros((NPAD - N, D), f32),
    ], axis=0)

    deg2 = _sc_degree(dst)
    d0 = deg2[:NPAD].reshape(NPAD, 1)
    d1 = deg2[NPAD:].reshape(NPAD, 1)

    m1 = pl.pallas_call(
        _mm_scale_body,
        grid=(_NROWB,),
        in_specs=[_row_spec, _dinv_spec, _dinv_spec, _full((D, D))],
        out_specs=_row_spec,
        out_shape=jax.ShapeDtypeStruct((NPAD, D), f32),
    )(h0, d0, d1, W1)
    s1 = _sc_scatter(m1, src2d, dst2d).reshape(2, NPAD, D)

    _p0_spec = pl.BlockSpec((1, _ROWB, D), lambda i: (0, i, 0))
    _p1_spec = pl.BlockSpec((1, _ROWB, D), lambda i: (1, i, 0))

    m2 = pl.pallas_call(
        _conv_out_mm_body,
        grid=(_NROWB,),
        in_specs=[_p0_spec, _p1_spec, _row_spec, _dinv_spec, _dinv_spec,
                  _full((1, D)), _full((D, D))],
        out_specs=_row_spec,
        out_shape=jax.ShapeDtypeStruct((NPAD, D), f32),
    )(s1, s1, m1, d0, d1, b1.reshape(1, D), W2)
    s2 = _sc_scatter(m2, src2d, dst2d).reshape(2, NPAD, D)

    h3 = pl.pallas_call(
        _conv_out_head_body,
        grid=(_NROWB,),
        in_specs=[_p0_spec, _p1_spec, _row_spec, _dinv_spec, _dinv_spec,
                  _full((1, D)), _full((D, H3)), _full((1, H3))],
        out_specs=pl.BlockSpec((_ROWB, H3), lambda i: (i, 0)),
        out_shape=jax.ShapeDtypeStruct((NPAD, H3), f32),
    )(s2, s2, m2, d0, d1, b2.reshape(1, D), W3, b3.reshape(1, H3))

    u = h3[:NU]
    it = h3[NU:N]
    MB, NB = 512, 512
    scores = pl.pallas_call(
        _scores_body,
        grid=(pl.cdiv(NU, MB), pl.cdiv(NI, NB)),
        in_specs=[pl.BlockSpec((MB, H3), lambda i, j: (i, 0)),
                  pl.BlockSpec((NB, H3), lambda i, j: (j, 0))],
        out_specs=pl.BlockSpec((MB, NB), lambda i, j: (i, j)),
        out_shape=jax.ShapeDtypeStruct((NU, NI), f32),
    )(u, it)
    return scores

# --- scband reference (transcript-rebuilt; emitter-appended) ---
"""Pipeline reference for scband-movie-recommendation-model-with-movie-embedding-6854767805142 (READ-ONLY COPY).

The authoritative reference and input builder live on the scoring server;
editing this copy changes nothing except your own understanding.
"""

import jax, jax.numpy as jnp
import numpy as np

N_NODES = 10000
NUM_USERS = 2000
NUM_ITEMS = 8000
N_EDGES = 320000
D = 128
H1 = 128
H2 = 128
H3 = 64


def setup_inputs(seed: int = 0) -> dict:
    key = jax.random.key(seed)
    ks = jax.random.split(key, 8)
    x = jnp.arange(N_NODES, dtype=jnp.int32)
    edge_index = jax.random.randint(ks[0], (2, N_EDGES), 0, N_NODES, dtype=jnp.int32)
    emb = jax.random.normal(ks[1], (NUM_ITEMS + 1, D), dtype=jnp.float32)
    s1 = 1.0 / np.sqrt(D)
    s2 = 1.0 / np.sqrt(H1)
    s3 = 1.0 / np.sqrt(H2)
    W1 = jax.random.normal(ks[2], (D, H1), dtype=jnp.float32) * s1
    b1 = jnp.zeros((H1,), dtype=jnp.float32)
    W2 = jax.random.normal(ks[3], (H1, H2), dtype=jnp.float32) * s2
    b2 = jnp.zeros((H2,), dtype=jnp.float32)
    W3 = jax.random.normal(ks[4], (H2, H3), dtype=jnp.float32) * s3
    b3 = jnp.zeros((H3,), dtype=jnp.float32)
    return {"x": x, "edge_index": edge_index, "num_users": NUM_USERS,
            "emb": emb, "W1": W1, "b1": b1, "W2": W2, "b2": b2, "W3": W3, "b3": b3}


def _gcn_conv(h, src, dst, W, b, n):
    # PyG GCNConv: add self-loops (done by caller), h' = D^-1/2 (A+I) D^-1/2 (h W) + b
    h = h @ W
    deg = jnp.zeros((n,), dtype=h.dtype).at[dst].add(1.0)
    dinv = jnp.where(deg > 0, 1.0 / jnp.sqrt(deg), 0.0)
    norm = dinv[src] * dinv[dst]
    msg = h[src] * norm[:, None]
    out = jnp.zeros((n, h.shape[1]), dtype=h.dtype).at[dst].add(msg)
    return out + b


def reference(x, edge_index, num_users, emb, W1, b1, W2, b2, W3, b3):
    n = x.shape[0]
    nu = x.shape[0] - (emb.shape[0] - 1)
    loop = jnp.arange(n, dtype=edge_index.dtype)
    src = jnp.concatenate([edge_index[0], loop])
    dst = jnp.concatenate([edge_index[1], loop])
    users = jnp.zeros((nu,), dtype=jnp.int32)
    items = x[nu:] - num_users + 1
    users_embedding = emb[users]
    items_embedding = emb[items]
    h = jnp.concatenate([users_embedding, items_embedding], axis=0)
    h = jax.nn.relu(_gcn_conv(h, src, dst, W1, b1, n))
    # dropout p=0.0 -> identity
    h = jax.nn.relu(_gcn_conv(h, src, dst, W2, b2, n))
    h = h @ W3 + b3
    h = jax.nn.relu(h)  # middle_function == 'relu'
    u = h[:nu, :]
    it = h[nu:, :]
    result = u @ it.T
    result = jnp.clip(result, 1.0, 5.0)  # end_function == 'clamp'
    return result

if __name__ == "__main__":
    import jax
    _d = setup_inputs()
    print(jax.jit(kernel)(*tuple(_d.values())))

</pallas_src>

<mosaic_0001>
#map = affine_map<(d0, d1) -> (0, 0)>
module attributes {stable_mosaic.version = 14 : i64} {
  func.func @_sc_scatter_body(%arg0: i32, %arg1: i32, %arg2: memref<10240x128xf32, #tpu.memory_space<hbm>>, %arg3: memref<2539x128xi32, #tpu.memory_space<hbm>>, %arg4: memref<2539x128xi32, #tpu.memory_space<hbm>>, %arg5: memref<20480x128xf32, #tpu.memory_space<hbm>>, %arg6: memref<92x128xi32, #tpu.memory_space<vmem>>, %arg7: memref<92x128xi32, #tpu.memory_space<vmem>>, %arg8: memref<128x128xf32, #tpu.memory_space<vmem>>, %arg9: memref<10240x128xf32, #tpu.memory_space<vmem_shared>>, %arg10: memref<!tpu.dma_semaphore, #tpu.memory_space<semaphore_mem>>) attributes {dimension_semantics = [#tpu.dimension_semantics<core_parallel>, #tpu.dimension_semantics<subcore_parallel>], iteration_bounds = array<i64: 2, 16>, scalar_prefetch = 0 : i64, scratch_operands = 5 : i64, tpu.core_type = #tpu.core_type<sc_vector_subcore>, window_params = [{transform_indices = #map}, {transform_indices = #map}, {transform_indices = #map}, {transform_indices = #map}]} {
    %mul3A = arith.constant 640 : i32
    %mul3A_0 = arith.muli %arg1, %mul3A : i32
    %mul3A_1 = arith.constant 640 : i32
    %mul3A_2 = arith.muli %arg1, %mul3A_1 : i32
    "tpu.region"() ({
      %run_scoped3A = tpu.sem_alloc : memref<!tpu.dma_semaphore, #tpu.memory_space<semaphore_mem>>
      %dma_start3A = arith.constant 0 : i32
      %dma_start3A_33 = tpu.memref_slice %arg9[%mul3A_2, %dma_start3A] : memref<10240x128xf32, #tpu.memory_space<vmem_shared>> -> memref<640x128xf32, #tpu.memory_space<vmem_shared>>
      %dma_start3A_34 = arith.constant 0 : i32
      %dma_start3A_35 = tpu.memref_slice %arg2[%mul3A_0, %dma_start3A_34] : memref<10240x128xf32, #tpu.memory_space<hbm>> -> memref<640x128xf32, #tpu.memory_space<hbm>>
      tpu.enqueue_dma source(%dma_start3A_35 : memref<640x128xf32, #tpu.memory_space<hbm>>) target(%dma_start3A_33 : memref<640x128xf32, #tpu.memory_space<vmem_shared>>) target_semaphore(%run_scoped3A : memref<!tpu.dma_semaphore, #tpu.memory_space<semaphore_mem>>)
      %dma_wait3A = arith.constant 0 : i32
      %dma_wait3A_36 = tpu.memref_slice %arg9[%mul3A_2, %dma_wait3A] : memref<10240x128xf32, #tpu.memory_space<vmem_shared>> -> memref<640x128xf32, #tpu.memory_space<vmem_shared>>
      %dma_wait3A_37 = arith.constant 0 : i32
      %dma_wait3A_38 = tpu.memref_slice %arg2[%mul3A_0, %dma_wait3A_37] : memref<10240x128xf32, #tpu.memory_space<hbm>> -> memref<640x128xf32, #tpu.memory_space<hbm>>
      tpu.wait_dma2 semaphore(%run_scoped3A : memref<!tpu.dma_semaphore, #tpu.memory_space<semaphore_mem>>) src(%dma_wait3A_38 : memref<640x128xf32, #tpu.memory_space<hbm>>) dst(%dma_wait3A_36 : memref<640x128xf32, #tpu.memory_space<vmem_shared>>)
      tpu.yield
    }) : () -> ()
    %eq3A = arith.constant 0 : i32
    %eq3A_3 = arith.cmpi eq, %arg0, %eq3A : i32
    %select_n3A = arith.constant 65 : i32
    %select_n3A_4 = arith.constant 92 : i32
    %select_n3A_5 = arith.select %eq3A_3, %select_n3A_4, %select_n3A : i32
    %eq3A_6 = arith.constant 0 : i32
    %eq3A_7 = arith.cmpi eq, %arg0, %eq3A_6 : i32
    %mul3A_8 = arith.constant 92 : i32
    %mul3A_9 = arith.muli %arg1, %mul3A_8 : i32
    %mul3A_10 = arith.constant 65 : i32
    %mul3A_11 = arith.muli %arg1, %mul3A_10 : i32
    %add3A = arith.constant 1472 : i32
    %add3A_12 = arith.addi %add3A, %mul3A_11 : i32
    %select_n3A_13 = arith.select %eq3A_7, %mul3A_9, %add3A_12 : i32
    "tpu.region"() ({
      %run_scoped3A = tpu.sem_alloc : memref<!tpu.dma_semaphore, #tpu.memory_space<semaphore_mem>>
      %dma_start3A = arith.constant 0 : i32
      %dma_start3A_33 = tpu.memref_slice %arg3[%select_n3A_13, %dma_start3A] : memref<2539x128xi32, #tpu.memory_space<hbm>> -> memref<92x128xi32, #tpu.memory_space<hbm>>
      %dma_start3A_34 = arith.constant 0 : i32
      %dma_start3A_35 = tpu.memref_slice %arg3[%select_n3A_13, %dma_start3A_34] : memref<2539x128xi32, #tpu.memory_space<hbm>> -> memref<92x128xi32, #tpu.memory_space<hbm>>
      tpu.enqueue_dma source(%dma_start3A_35 : memref<92x128xi32, #tpu.memory_space<hbm>>) target(%arg6 : memref<92x128xi32, #tpu.memory_space<vmem>>) target_semaphore(%run_scoped3A : memref<!tpu.dma_semaphore, #tpu.memory_space<semaphore_mem>>)
      %dma_wait3A = arith.constant 0 : i32
      %dma_wait3A_36 = tpu.memref_slice %arg3[%select_n3A_13, %dma_wait3A] : memref<2539x128xi32, #tpu.memory_space<hbm>> -> memref<92x128xi32, #tpu.memory_space<hbm>>
      %dma_wait3A_37 = arith.constant 0 : i32
      %dma_wait3A_38 = tpu.memref_slice %arg3[%select_n3A_13, %dma_wait3A_37] : memref<2539x128xi32, #tpu.memory_space<hbm>> -> memref<92x128xi32, #tpu.memory_space<hbm>>
      tpu.wait_dma2 semaphore(%run_scoped3A : memref<!tpu.dma_semaphore, #tpu.memory_space<semaphore_mem>>) src(%dma_wait3A_38 : memref<92x128xi32, #tpu.memory_space<hbm>>) dst(%arg6 : memref<92x128xi32, #tpu.memory_space<vmem>>)
      tpu.yield
    }) : () -> ()
    "tpu.region"() ({
      %run_scoped3A = tpu.sem_alloc : memref<!tpu.dma_semaphore, #tpu.memory_space<semaphore_mem>>
      %dma_start3A = arith.constant 0 : i32
      %dma_start3A_33 = tpu.memref_slice %arg4[%select_n3A_13, %dma_start3A] : memref<2539x128xi32, #tpu.memory_space<hbm>> -> memref<92x128xi32, #tpu.memory_space<hbm>>
      %dma_start3A_34 = arith.constant 0 : i32
      %dma_start3A_35 = tpu.memref_slice %arg4[%select_n3A_13, %dma_start3A_34] : memref<2539x128xi32, #tpu.memory_space<hbm>> -> memref<92x128xi32, #tpu.memory_space<hbm>>
      tpu.enqueue_dma source(%dma_start3A_35 : memref<92x128xi32, #tpu.memory_space<hbm>>) target(%arg7 : memref<92x128xi32, #tpu.memory_space<vmem>>) target_semaphore(%run_scoped3A : memref<!tpu.dma_semaphore, #tpu.memory_space<semaphore_mem>>)
      %dma_wait3A = arith.constant 0 : i32
      %dma_wait3A_36 = tpu.memref_slice %arg4[%select_n3A_13, %dma_wait3A] : memref<2539x128xi32, #tpu.memory_space<hbm>> -> memref<92x128xi32, #tpu.memory_space<hbm>>
      %dma_wait3A_37 = arith.constant 0 : i32
      %dma_wait3A_38 = tpu.memref_slice %arg4[%select_n3A_13, %dma_wait3A_37] : memref<2539x128xi32, #tpu.memory_space<hbm>> -> memref<92x128xi32, #tpu.memory_space<hbm>>
      tpu.wait_dma2 semaphore(%run_scoped3A : memref<!tpu.dma_semaphore, #tpu.memory_space<semaphore_mem>>) src(%dma_wait3A_38 : memref<92x128xi32, #tpu.memory_space<hbm>>) dst(%arg7 : memref<92x128xi32, #tpu.memory_space<vmem>>)
      tpu.yield
    }) : () -> ()
    %barrier3A = arith.constant 0 : index
    tpu.barrier barrier_id(%barrier3A)
    %while3A = arith.constant 0 : i32
    %while3A_14 = arith.constant 0 : i32
    %while3A_15 = arith.subi %select_n3A_5, %while3A : i32
    %while3A_16 = arith.addi %while3A, %while3A_15 : i32
    %while3A_17 = arith.constant 1 : i32
    %while3A_18 = arith.divsi %while3A_15, %while3A_17 : i32
    %while3A_19 = arith.muli %while3A_18, %while3A_17 : i32
    %while3A_20 = arith.addi %while3A, %while3A_19 : i32
    %while3A_21 = arith.constant 1 : i32
    %while3A_22 = scf.for %while3A_33 = %while3A to %while3A_20 step %while3A_21 iter_args(%while3A_34 = %while3A_14) -> (i32)  : i32 {
      %dma_start3A = arith.constant 0 : i32
      %dma_start3A_35 = tpu.memref_slice %arg6[%while3A_33, %dma_start3A] : memref<92x128xi32, #tpu.memory_space<vmem>> -> memref<1x128xi32, #tpu.memory_space<vmem>>
      %dma_start3A_36 = tpu.memref_squeeze %dma_start3A_35 : memref<1x128xi32, #tpu.memory_space<vmem>> -> memref<128xi32, #tpu.memory_space<vmem>>
      %dma_start3A_37 = arith.constant 0 : i32
      %dma_start3A_38 = arith.constant 0 : i32
      %dma_start3A_39 = tpu.memref_slice %arg2[%dma_start3A_37, %dma_start3A_38] : memref<10240x128xf32, #tpu.memory_space<hbm>> -> memref<10240x128xf32, #tpu.memory_space<hbm>>
      tpu.enqueue_indirect_dma source(%dma_start3A_39 : memref<10240x128xf32, #tpu.memory_space<hbm>>) target(%arg8 : memref<128x128xf32, #tpu.memory_space<vmem>>) offsets(%dma_start3A_36 : memref<128xi32, #tpu.memory_space<vmem>>) semaphore(%arg10 : memref<!tpu.dma_semaphore, #tpu.memory_space<semaphore_mem>>)
      %dma_wait3A = arith.constant 0 : i32
      %dma_wait3A_40 = tpu.memref_slice %arg6[%while3A_33, %dma_wait3A] : memref<92x128xi32, #tpu.memory_space<vmem>> -> memref<1x128xi32, #tpu.memory_space<vmem>>
      %dma_wait3A_41 = tpu.memref_squeeze %dma_wait3A_40 : memref<1x128xi32, #tpu.memory_space<vmem>> -> memref<128xi32, #tpu.memory_space<vmem>>
      %dma_wait3A_42 = arith.constant 0 : i32
      %dma_wait3A_43 = arith.constant 0 : i32
      %dma_wait3A_44 = tpu.memref_slice %arg2[%dma_wait3A_42, %dma_wait3A_43] : memref<10240x128xf32, #tpu.memory_space<hbm>> -> memref<10240x128xf32, #tpu.memory_space<hbm>>
      tpu.wait_indirect_dma semaphore(%arg10 : memref<!tpu.dma_semaphore, #tpu.memory_space<semaphore_mem>>) src(%dma_wait3A_44 : memref<10240x128xf32, #tpu.memory_space<hbm>>) dst(%arg8 : memref<128x128xf32, #tpu.memory_space<vmem>>)
      "tpu.region"() ({
        %run_scoped3A = tpu.sem_alloc : memref<!tpu.dma_semaphore, #tpu.memory_space<semaphore_mem>>
        %dma_start3A_46 = arith.constant 0 : i32
        %dma_start3A_47 = tpu.memref_slice %arg7[%while3A_33, %dma_start3A_46] : memref<92x128xi32, #tpu.memory_space<vmem>> -> memref<1x128xi32, #tpu.memory_space<vmem>>
        %dma_start3A_48 = tpu.memref_squeeze %dma_start3A_47 : memref<1x128xi32, #tpu.memory_space<vmem>> -> memref<128xi32, #tpu.memory_space<vmem>>
        %dma_start3A_49 = arith.constant 0 : i32
        %dma_start3A_50 = arith.constant 0 : i32
        %dma_start3A_51 = tpu.memref_slice %arg9[%dma_start3A_49, %dma_start3A_50] : memref<10240x128xf32, #tpu.memory_space<vmem_shared>> -> memref<10240x128xf32, #tpu.memory_space<vmem_shared>>
        tpu.enqueue_indirect_dma source(%arg8 : memref<128x128xf32, #tpu.memory_space<vmem>>) target(%dma_start3A_51 : memref<10240x128xf32, #tpu.memory_space<vmem_shared>>) offsets(%dma_start3A_48 : memref<128xi32, #tpu.memory_space<vmem>>) semaphore(%run_scoped3A : memref<!tpu.dma_semaphore, #tpu.memory_space<semaphore_mem>>) {add = true}
        %dma_wait3A_52 = arith.constant 0 : i32
        %dma_wait3A_53 = tpu.memref_slice %arg7[%while3A_33, %dma_wait3A_52] : memref<92x128xi32, #tpu.memory_space<vmem>> -> memref<1x128xi32, #tpu.memory_space<vmem>>
        %dma_wait3A_54 = tpu.memref_squeeze %dma_wait3A_53 : memref<1x128xi32, #tpu.memory_space<vmem>> -> memref<128xi32, #tpu.memory_space<vmem>>
        %dma_wait3A_55 = arith.constant 0 : i32
        %dma_wait3A_56 = arith.constant 0 : i32
        %dma_wait3A_57 = tpu.memref_slice %arg9[%dma_wait3A_55, %dma_wait3A_56] : memref<10240x128xf32, #tpu.memory_space<vmem_shared>> -> memref<10240x128xf32, #tpu.memory_space<vmem_shared>>
        tpu.wait_indirect_dma semaphore(%run_scoped3A : memref<!tpu.dma_semaphore, #tpu.memory_space<semaphore_mem>>) src(%arg8 : memref<128x128xf32, #tpu.memory_space<vmem>>) dst(%dma_wait3A_57 : memref<10240x128xf32, #tpu.memory_space<vmem_shared>>)
        tpu.yield
      }) : () -> ()
      %while3A_45 = arith.constant 0 : i32
      scf.yield %while3A_45 : i32
    }
    %while3A_23 = arith.constant 1 : i32
    %while3A_24 = scf.for %while3A_33 = %while3A_20 to %while3A_16 step %while3A_23 iter_args(%while3A_34 = %while3A_22) -> (i32)  : i32 {
      %dma_start3A = arith.constant 0 : i32
      %dma_start3A_35 = tpu.memref_slice %arg6[%while3A_33, %dma_start3A] : memref<92x128xi32, #tpu.memory_space<vmem>> -> memref<1x128xi32, #tpu.memory_space<vmem>>
      %dma_start3A_36 = tpu.memref_squeeze %dma_start3A_35 : memref<1x128xi32, #tpu.memory_space<vmem>> -> memref<128xi32, #tpu.memory_space<vmem>>
      %dma_start3A_37 = arith.constant 0 : i32
      %dma_start3A_38 = arith.constant 0 : i32
      %dma_start3A_39 = tpu.memref_slice %arg2[%dma_start3A_37, %dma_start3A_38] : memref<10240x128xf32, #tpu.memory_space<hbm>> -> memref<10240x128xf32, #tpu.memory_space<hbm>>
      tpu.enqueue_indirect_dma source(%dma_start3A_39 : memref<10240x128xf32, #tpu.memory_space<hbm>>) target(%arg8 : memref<128x128xf32, #tpu.memory_space<vmem>>) offsets(%dma_start3A_36 : memref<128xi32, #tpu.memory_space<vmem>>) semaphore(%arg10 : memref<!tpu.dma_semaphore, #tpu.memory_space<semaphore_mem>>)
      %dma_wait3A = arith.constant 0 : i32
      %dma_wait3A_40 = tpu.memref_slice %arg6[%while3A_33, %dma_wait3A] : memref<92x128xi32, #tpu.memory_space<vmem>> -> memref<1x128xi32, #tpu.memory_space<vmem>>
      %dma_wait3A_41 = tpu.memref_squeeze %dma_wait3A_40 : memref<1x128xi32, #tpu.memory_space<vmem>> -> memref<128xi32, #tpu.memory_space<vmem>>
      %dma_wait3A_42 = arith.constant 0 : i32
      %dma_wait3A_43 = arith.constant 0 : i32
      %dma_wait3A_44 = tpu.memref_slice %arg2[%dma_wait3A_42, %dma_wait3A_43] : memref<10240x128xf32, #tpu.memory_space<hbm>> -> memref<10240x128xf32, #tpu.memory_space<hbm>>
      tpu.wait_indirect_dma semaphore(%arg10 : memref<!tpu.dma_semaphore, #tpu.memory_space<semaphore_mem>>) src(%dma_wait3A_44 : memref<10240x128xf32, #tpu.memory_space<hbm>>) dst(%arg8 : memref<128x128xf32, #tpu.memory_space<vmem>>)
      "tpu.region"() ({
        %run_scoped3A = tpu.sem_alloc : memref<!tpu.dma_semaphore, #tpu.memory_space<semaphore_mem>>
        %dma_start3A_46 = arith.constant 0 : i32
        %dma_start3A_47 = tpu.memref_slice %arg7[%while3A_33, %dma_start3A_46] : memref<92x128xi32, #tpu.memory_space<vmem>> -> memref<1x128xi32, #tpu.memory_space<vmem>>
        %dma_start3A_48 = tpu.memref_squeeze %dma_start3A_47 : memref<1x128xi32, #tpu.memory_space<vmem>> -> memref<128xi32, #tpu.memory_space<vmem>>
        %dma_start3A_49 = arith.constant 0 : i32
        %dma_start3A_50 = arith.constant 0 : i32
        %dma_start3A_51 = tpu.memref_slice %arg9[%dma_start3A_49, %dma_start3A_50] : memref<10240x128xf32, #tpu.memory_space<vmem_shared>> -> memref<10240x128xf32, #tpu.memory_space<vmem_shared>>
        tpu.enqueue_indirect_dma source(%arg8 : memref<128x128xf32, #tpu.memory_space<vmem>>) target(%dma_start3A_51 : memref<10240x128xf32, #tpu.memory_space<vmem_shared>>) offsets(%dma_start3A_48 : memref<128xi32, #tpu.memory_space<vmem>>) semaphore(%run_scoped3A : memref<!tpu.dma_semaphore, #tpu.memory_space<semaphore_mem>>) {add = true}
        %dma_wait3A_52 = arith.constant 0 : i32
        %dma_wait3A_53 = tpu.memref_slice %arg7[%while3A_33, %dma_wait3A_52] : memref<92x128xi32, #tpu.memory_space<vmem>> -> memref<1x128xi32, #tpu.memory_space<vmem>>
        %dma_wait3A_54 = tpu.memref_squeeze %dma_wait3A_53 : memref<1x128xi32, #tpu.memory_space<vmem>> -> memref<128xi32, #tpu.memory_space<vmem>>
        %dma_wait3A_55 = arith.constant 0 : i32
        %dma_wait3A_56 = arith.constant 0 : i32
        %dma_wait3A_57 = tpu.memref_slice %arg9[%dma_wait3A_55, %dma_wait3A_56] : memref<10240x128xf32, #tpu.memory_space<vmem_shared>> -> memref<10240x128xf32, #tpu.memory_space<vmem_shared>>
        tpu.wait_indirect_dma semaphore(%run_scoped3A : memref<!tpu.dma_semaphore, #tpu.memory_space<semaphore_mem>>) src(%arg8 : memref<128x128xf32, #tpu.memory_space<vmem>>) dst(%dma_wait3A_57 : memref<10240x128xf32, #tpu.memory_space<vmem_shared>>)
        tpu.yield
      }) : () -> ()
      %while3A_45 = arith.constant 0 : i32
      scf.yield %while3A_45 : i32
    }
    %barrier3A_25 = arith.constant 0 : index
    tpu.barrier barrier_id(%barrier3A_25)
    %mul3A_26 = arith.constant 640 : i32
    %mul3A_27 = arith.muli %arg1, %mul3A_26 : i32
    %mul3A_28 = arith.constant 10240 : i32
    %mul3A_29 = arith.muli %arg0, %mul3A_28 : i32
    %mul3A_30 = arith.constant 640 : i32
    %mul3A_31 = arith.muli %arg1, %mul3A_30 : i32
    %add3A_32 = arith.addi %mul3A_29, %mul3A_31 : i32
    "tpu.region"() ({
      %run_scoped3A = tpu.sem_alloc : memref<!tpu.dma_semaphore, #tpu.memory_space<semaphore_mem>>
      %dma_start3A = arith.constant 0 : i32
      %dma_start3A_33 = tpu.memref_slice %arg5[%add3A_32, %dma_start3A] : memref<20480x128xf32, #tpu.memory_space<hbm>> -> memref<640x128xf32, #tpu.memory_space<hbm>>
      %dma_start3A_34 = arith.constant 0 : i32
      %dma_start3A_35 = tpu.memref_slice %arg9[%mul3A_27, %dma_start3A_34] : memref<10240x128xf32, #tpu.memory_space<vmem_shared>> -> memref<640x128xf32, #tpu.memory_space<vmem_shared>>
      tpu.enqueue_dma source(%dma_start3A_35 : memref<640x128xf32, #tpu.memory_space<vmem_shared>>) target(%dma_start3A_33 : memref<640x128xf32, #tpu.memory_space<hbm>>) target_semaphore(%run_scoped3A : memref<!tpu.dma_semaphore, #tpu.memory_space<semaphore_mem>>)
      %dma_wait3A = arith.constant 0 : i32
      %dma_wait3A_36 = tpu.memref_slice %arg5[%add3A_32, %dma_wait3A] : memref<20480x128xf32, #tpu.memory_space<hbm>> -> memref<640x128xf32, #tpu.memory_space<hbm>>
      %dma_wait3A_37 = arith.constant 0 : i32
      %dma_wait3A_38 = tpu.memref_slice %arg9[%mul3A_27, %dma_wait3A_37] : memref<10240x128xf32, #tpu.memory_space<vmem_shared>> -> memref<640x128xf32, #tpu.memory_space<vmem_shared>>
      tpu.wait_dma2 semaphore(%run_scoped3A : memref<!tpu.dma_semaphore, #tpu.memory_space<semaphore_mem>>) src(%dma_wait3A_38 : memref<640x128xf32, #tpu.memory_space<vmem_shared>>) dst(%dma_wait3A_36 : memref<640x128xf32, #tpu.memory_space<hbm>>)
      tpu.yield
    }) : () -> ()
    return
  }
}

#map = affine_map<(d0, d1) -> (0)>
module attributes {stable_mosaic.version = 14 : i64} {
  func.func @_sc_degree_body(%arg0: i32, %arg1: i32, %arg2: memref<324992xi32, #tpu.memory_space<hbm>>, %arg3: memref<20480xf32, #tpu.memory_space<hbm>>, %arg4: memref<11776xi32, #tpu.memory_space<vmem>>, %arg5: memref<10240xf32, #tpu.memory_space<vmem>>, %arg6: memref<16x640xf32, #tpu.memory_space<vmem>>, %arg7: memref<640xf32, #tpu.memory_space<vmem>>, %arg8: memref<16x10240xf32, #tpu.memory_space<vmem_shared>>) attributes {dimension_semantics = [#tpu.dimension_semantics<core_parallel>, #tpu.dimension_semantics<subcore_parallel>], iteration_bounds = array<i64: 2, 16>, scalar_prefetch = 0 : i64, scratch_operands = 5 : i64, tpu.core_type = #tpu.core_type<sc_vector_subcore>, window_params = [{transform_indices = #map}, {transform_indices = #map}]} {
    %scan3A = arith.constant 0 : i32
    %scan3A_0 = arith.constant 0 : i32
    %scan3A_1 = arith.constant 640 : i32
    %scan3A_2 = arith.addi %scan3A_0, %scan3A_1 : i32
    %scan3A_3 = arith.constant 1 : i32
    %scan3A_4 = scf.for %scan3A_44 = %scan3A_0 to %scan3A_2 step %scan3A_3 iter_args(%scan3A_45 = %scan3A) -> (i32)  : i32 {
      %broadcast_in_dim3A_46 = arith.constant 0.000000e+00 : f32
      %broadcast_in_dim3A_47 = vector.broadcast %broadcast_in_dim3A_46 : f32 to vector<16xf32>
      %mul3A_48 = arith.constant 16 : i32
      %mul3A_49 = arith.muli %scan3A_44, %mul3A_48 : i32
      %swap3A = arith.index_cast %mul3A_49 : i32 to index
      %swap3A_50 = tpu.vector_load %arg5[%swap3A] {strides = array<i32>} : memref<10240xf32, #tpu.memory_space<vmem>>, vector<16xf32>,
      tpu.vector_store %arg5[%swap3A], %broadcast_in_dim3A_47 {strides = array<i32>} : memref<10240xf32, #tpu.memory_space<vmem>>, vector<16xf32>,
      %scan3A_51 = arith.constant 0 : i32
      scf.yield %scan3A_51 : i32
    }
    %scan3A_5 = arith.constant 640 : i32
    %eq3A = arith.constant 0 : i32
    %eq3A_6 = arith.cmpi eq, %arg0, %eq3A : i32
    %select_n3A = arith.constant 65 : i32
    %select_n3A_7 = arith.constant 92 : i32
    %select_n3A_8 = arith.select %eq3A_6, %select_n3A_7, %select_n3A : i32
    %eq3A_9 = arith.constant 0 : i32
    %eq3A_10 = arith.cmpi eq, %arg0, %eq3A_9 : i32
    %mul3A = arith.constant 11776 : i32
    %mul3A_11 = arith.muli %arg1, %mul3A : i32
    %mul3A_12 = arith.constant 8320 : i32
    %mul3A_13 = arith.muli %arg1, %mul3A_12 : i32
    %add3A = arith.constant 188416 : i32
    %add3A_14 = arith.addi %add3A, %mul3A_13 : i32
    %select_n3A_15 = arith.select %eq3A_10, %mul3A_11, %add3A_14 : i32
    %multiple_of3A = tpu.assume_multiple %select_n3A_15, 128 : i32
    "tpu.region"() ({
      %run_scoped3A = tpu.sem_alloc : memref<!tpu.dma_semaphore, #tpu.memory_space<semaphore_mem>>
      %dma_start3A = tpu.memref_slice %arg2[%multiple_of3A] : memref<324992xi32, #tpu.memory_space<hbm>> -> memref<11776xi32, #tpu.memory_space<hbm>>
      %dma_start3A_44 = tpu.memref_slice %arg2[%multiple_of3A] : memref<324992xi32, #tpu.memory_space<hbm>> -> memref<11776xi32, #tpu.memory_space<hbm>>
      tpu.enqueue_dma source(%dma_start3A_44 : memref<11776xi32, #tpu.memory_space<hbm>>) target(%arg4 : memref<11776xi32, #tpu.memory_space<vmem>>) target_semaphore(%run_scoped3A : memref<!tpu.dma_semaphore, #tpu.memory_space<semaphore_mem>>)
      %dma_wait3A = tpu.memref_slice %arg2[%multiple_of3A] : memref<324992xi32, #tpu.memory_space<hbm>> -> memref<11776xi32, #tpu.memory_space<hbm>>
      %dma_wait3A_45 = tpu.memref_slice %arg2[%multiple_of3A] : memref<324992xi32, #tpu.memory_space<hbm>> -> memref<11776xi32, #tpu.memory_space<hbm>>
      tpu.wait_dma2 semaphore(%run_scoped3A : memref<!tpu.dma_semaphore, #tpu.memory_space<semaphore_mem>>) src(%dma_wait3A_45 : memref<11776xi32, #tpu.memory_space<hbm>>) dst(%arg4 : memref<11776xi32, #tpu.memory_space<vmem>>)
      tpu.yield
    }) : () -> ()
    %broadcast_in_dim3A = arith.constant 1.000000e+00 : f32
    %broadcast_in_dim3A_16 = vector.broadcast %broadcast_in_dim3A : f32 to vector<16xf32>
    %mul3A_17 = arith.constant 8 : i32
    %mul3A_18 = arith.muli %select_n3A_8, %mul3A_17 : i32
    %while3A = arith.constant 0 : i32
    %while3A_19 = arith.constant 0 : i32
    %while3A_20 = arith.subi %mul3A_18, %while3A : i32
    %while3A_21 = arith.addi %while3A, %while3A_20 : i32
    %while3A_22 = arith.constant 1 : i32
    %while3A_23 = arith.divsi %while3A_20, %while3A_22 : i32
    %while3A_24 = arith.muli %while3A_23, %while3A_22 : i32
    %while3A_25 = arith.addi %while3A, %while3A_24 : i32
    %while3A_26 = arith.constant 1 : i32
    %while3A_27 = scf.for %while3A_44 = %while3A to %while3A_25 step %while3A_26 iter_args(%while3A_45 = %while3A_19) -> (i32)  : i32 {
      %mul3A_46 = arith.constant 16 : i32
      %mul3A_47 = arith.muli %while3A_44, %mul3A_46 : i32
      %get3A = arith.index_cast %mul3A_47 : i32 to index
      %get3A_48 = tpu.vector_load %arg4[%get3A] {strides = array<i32>} : memref<11776xi32, #tpu.memory_space<vmem>>, vector<16xi32>,
      tpu.vector_store_idx %arg5[%get3A_48], %broadcast_in_dim3A_16 {add = true} : memref<10240xf32, #tpu.memory_space<vmem>>[vector<16xi32>], vector<16xf32>,
      %while3A_49 = arith.constant 0 : i32
      scf.yield %while3A_49 : i32
    }
    %while3A_28 = arith.constant 1 : i32
    %while3A_29 = scf.for %while3A_44 = %while3A_25 to %while3A_21 step %while3A_28 iter_args(%while3A_45 = %while3A_27) -> (i32)  : i32 {
      %mul3A_46 = arith.constant 16 : i32
      %mul3A_47 = arith.muli %while3A_44, %mul3A_46 : i32
      %get3A = arith.index_cast %mul3A_47 : i32 to index
      %get3A_48 = tpu.vector_load %arg4[%get3A] {strides = array<i32>} : memref<11776xi32, #tpu.memory_space<vmem>>, vector<16xi32>,
      tpu.vector_store_idx %arg5[%get3A_48], %broadcast_in_dim3A_16 {add = true} : memref<10240xf32, #tpu.memory_space<vmem>>[vector<16xi32>], vector<16xf32>,
      %while3A_49 = arith.constant 0 : i32
      scf.yield %while3A_49 : i32
    }
    "tpu.region"() ({
      %run_scoped3A = tpu.sem_alloc : memref<!tpu.dma_semaphore, #tpu.memory_space<semaphore_mem>>
      %dma_start3A = arith.constant 0 : i32
      %dma_start3A_44 = tpu.memref_slice %arg8[%arg1, %dma_start3A] : memref<16x10240xf32, #tpu.memory_space<vmem_shared>> -> memref<1x10240xf32, #tpu.memory_space<vmem_shared>>
      %dma_start3A_45 = tpu.memref_squeeze %dma_start3A_44 : memref<1x10240xf32, #tpu.memory_space<vmem_shared>> -> memref<10240xf32, #tpu.memory_space<vmem_shared>>
      %dma_start3A_46 = arith.constant 0 : i32
      %dma_start3A_47 = tpu.memref_slice %arg8[%arg1, %dma_start3A_46] : memref<16x10240xf32, #tpu.memory_space<vmem_shared>> -> memref<1x10240xf32, #tpu.memory_space<vmem_shared>>
      %dma_start3A_48 = tpu.memref_squeeze %dma_start3A_47 : memref<1x10240xf32, #tpu.memory_space<vmem_shared>> -> memref<10240xf32, #tpu.memory_space<vmem_shared>>
      tpu.enqueue_dma source(%arg5 : memref<10240xf32, #tpu.memory_space<vmem>>) target(%dma_start3A_48 : memref<10240xf32, #tpu.memory_space<vmem_shared>>) target_semaphore(%run_scoped3A : memref<!tpu.dma_semaphore, #tpu.memory_space<semaphore_mem>>)
      %dma_wait3A = arith.constant 0 : i32
      %dma_wait3A_49 = tpu.memref_slice %arg8[%arg1, %dma_wait3A] : memref<16x10240xf32, #tpu.memory_space<vmem_shared>> -> memref<1x10240xf32, #tpu.memory_space<vmem_shared>>
      %dma_wait3A_50 = tpu.memref_squeeze %dma_wait3A_49 : memref<1x10240xf32, #tpu.memory_space<vmem_shared>> -> memref<10240xf32, #tpu.memory_space<vmem_shared>>
      %dma_wait3A_51 = arith.constant 0 : i32
      %dma_wait3A_52 = tpu.memref_slice %arg8[%arg1, %dma_wait3A_51] : memref<16x10240xf32, #tpu.memory_space<vmem_shared>> -> memref<1x10240xf32, #tpu.memory_space<vmem_shared>>
      %dma_wait3A_53 = tpu.memref_squeeze %dma_wait3A_52 : memref<1x10240xf32, #tpu.memory_space<vmem_shared>> -> memref<10240xf32, #tpu.memory_space<vmem_shared>>
      tpu.wait_dma2 semaphore(%run_scoped3A : memref<!tpu.dma_semaphore, #tpu.memory_space<semaphore_mem>>) src(%arg5 : memref<10240xf32, #tpu.memory_space<vmem>>) dst(%dma_wait3A_53 : memref<10240xf32, #tpu.memory_space<vmem_shared>>)
      tpu.yield
    }) : () -> ()
    %barrier3A = arith.constant 0 : index
    tpu.barrier barrier_id(%barrier3A)
    %mul3A_30 = arith.constant 640 : i32
    %mul3A_31 = arith.muli %arg1, %mul3A_30 : i32
    "tpu.region"() ({
      %run_scoped3A = tpu.sem_alloc : memref<!tpu.dma_semaphore, #tpu.memory_space<semaphore_mem>>
      %dma_start3A = arith.constant 0 : i32
      %dma_start3A_44 = tpu.memref_slice %arg8[%dma_start3A, %mul3A_31] : memref<16x10240xf32, #tpu.memory_space<vmem_shared>> -> memref<16x640xf32, #tpu.memory_space<vmem_shared>>
      %dma_start3A_45 = arith.constant 0 : i32
      %dma_start3A_46 = tpu.memref_slice %arg8[%dma_start3A_45, %mul3A_31] : memref<16x10240xf32, #tpu.memory_space<vmem_shared>> -> memref<16x640xf32, #tpu.memory_space<vmem_shared>>
      tpu.enqueue_dma source(%dma_start3A_46 : memref<16x640xf32, #tpu.memory_space<vmem_shared>>) target(%arg6 : memref<16x640xf32, #tpu.memory_space<vmem>>) target_semaphore(%run_scoped3A : memref<!tpu.dma_semaphore, #tpu.memory_space<semaphore_mem>>)
      %dma_wait3A = arith.constant 0 : i32
      %dma_wait3A_47 = tpu.memref_slice %arg8[%dma_wait3A, %mul3A_31] : memref<16x10240xf32, #tpu.memory_space<vmem_shared>> -> memref<16x640xf32, #tpu.memory_space<vmem_shared>>
      %dma_wait3A_48 = arith.constant 0 : i32
      %dma_wait3A_49 = tpu.memref_slice %arg8[%dma_wait3A_48, %mul3A_31] : memref<16x10240xf32, #tpu.memory_space<vmem_shared>> -> memref<16x640xf32, #tpu.memory_space<vmem_shared>>
      tpu.wait_dma2 semaphore(%run_scoped3A : memref<!tpu.dma_semaphore, #tpu.memory_space<semaphore_mem>>) src(%dma_wait3A_49 : memref<16x640xf32, #tpu.memory_space<vmem_shared>>) dst(%arg6 : memref<16x640xf32, #tpu.memory_space<vmem>>)
      tpu.yield
    }) : () -> ()
    %scan3A_32 = arith.constant 0 : i32
    %scan3A_33 = arith.constant 0 : i32
    %scan3A_34 = arith.constant 40 : i32
    %scan3A_35 = arith.addi %scan3A_33, %scan3A_34 : i32
    %scan3A_36 = arith.constant 1 : i32
    %scan3A_37 = scf.for %scan3A_44 = %scan3A_33 to %scan3A_35 step %scan3A_36 iter_args(%scan3A_45 = %scan3A_32) -> (i32)  : i32 {
      %broadcast_in_dim3A_46 = arith.constant 0.000000e+00 : f32
      %broadcast_in_dim3A_47 = vector.broadcast %broadcast_in_dim3A_46 : f32 to vector<16xf32>
      %mul3A_48 = arith.constant 16 : i32
      %mul3A_49 = arith.muli %scan3A_44, %mul3A_48 : i32
      %get3A = arith.constant 0 : i32
      %get3A_50 = arith.index_cast %get3A : i32 to index
      %get3A_51 = arith.index_cast %mul3A_49 : i32 to index
      %get3A_52 = tpu.vector_load %arg6[%get3A_50, %get3A_51] {strides = array<i32>} : memref<16x640xf32, #tpu.memory_space<vmem>>, vector<16xf32>,
      %add3A_53 = arith.addf %broadcast_in_dim3A_47, %get3A_52 : vector<16xf32>
      %mul3A_54 = arith.constant 16 : i32
      %mul3A_55 = arith.muli %scan3A_44, %mul3A_54 : i32
      %get3A_56 = arith.constant 1 : i32
      %get3A_57 = arith.index_cast %get3A_56 : i32 to index
      %get3A_58 = arith.index_cast %mul3A_55 : i32 to index
      %get3A_59 = tpu.vector_load %arg6[%get3A_57, %get3A_58] {strides = array<i32>} : memref<16x640xf32, #tpu.memory_space<vmem>>, vector<16xf32>,
      %add3A_60 = arith.addf %add3A_53, %get3A_59 : vector<16xf32>
      %mul3A_61 = arith.constant 16 : i32
      %mul3A_62 = arith.muli %scan3A_44, %mul3A_61 : i32
      %get3A_63 = arith.constant 2 : i32
      %get3A_64 = arith.index_cast %get3A_63 : i32 to index
      %get3A_65 = arith.index_cast %mul3A_62 : i32 to index
      %get3A_66 = tpu.vector_load %arg6[%get3A_64, %get3A_65] {strides = array<i32>} : memref<16x640xf32, #tpu.memory_space<vmem>>, vector<16xf32>,
      %add3A_67 = arith.addf %add3A_60, %get3A_66 : vector<16xf32>
      %mul3A_68 = arith.constant 16 : i32
      %mul3A_69 = arith.muli %scan3A_44, %mul3A_68 : i32
      %get3A_70 = arith.constant 3 : i32
      %get3A_71 = arith.index_cast %get3A_70 : i32 to index
      %get3A_72 = arith.index_cast %mul3A_69 : i32 to index
      %get3A_73 = tpu.vector_load %arg6[%get3A_71, %get3A_72] {strides = array<i32>} : memref<16x640xf32, #tpu.memory_space<vmem>>, vector<16xf32>,
      %add3A_74 = arith.addf %add3A_67, %get3A_73 : vector<16xf32>
      %mul3A_75 = arith.constant 16 : i32
      %mul3A_76 = arith.muli %scan3A_44, %mul3A_75 : i32
      %get3A_77 = arith.constant 4 : i32
      %get3A_78 = arith.index_cast %get3A_77 : i32 to index
      %get3A_79 = arith.index_cast %mul3A_76 : i32 to index
      %get3A_80 = tpu.vector_load %arg6[%get3A_78, %get3A_79] {strides = array<i32>} : memref<16x640xf32, #tpu.memory_space<vmem>>, vector<16xf32>,
      %add3A_81 = arith.addf %add3A_74, %get3A_80 : vector<16xf32>
      %mul3A_82 = arith.constant 16 : i32
      %mul3A_83 = arith.muli %scan3A_44, %mul3A_82 : i32
      %get3A_84 = arith.constant 5 : i32
      %get3A_85 = arith.index_cast %get3A_84 : i32 to index
      %get3A_86 = arith.index_cast %mul3A_83 : i32 to index
      %get3A_87 = tpu.vector_load %arg6[%get3A_85, %get3A_86] {strides = array<i32>} : memref<16x640xf32, #tpu.memory_space<vmem>>, vector<16xf32>,
      %add3A_88 = arith.addf %add3A_81, %get3A_87 : vector<16xf32>
      %mul3A_89 = arith.constant 16 : i32
      %mul3A_90 = arith.muli %scan3A_44, %mul3A_89 : i32
      %get3A_91 = arith.constant 6 : i32
      %get3A_92 = arith.index_cast %get3A_91 : i32 to index
      %get3A_93 = arith.index_cast %mul3A_90 : i32 to index
      %get3A_94 = tpu.vector_load %arg6[%get3A_92, %get3A_93] {strides = array<i32>} : memref<16x640xf32, #tpu.memory_space<vmem>>, vector<16xf32>,
      %add3A_95 = arith.addf %add3A_88, %get3A_94 : vector<16xf32>
      %mul3A_96 = arith.constant 16 : i32
      %mul3A_97 = arith.muli %scan3A_44, %mul3A_96 : i32
      %get3A_98 = arith.constant 7 : i32
      %get3A_99 = arith.index_cast %get3A_98 : i32 to index
      %get3A_100 = arith.index_cast %mul3A_97 : i32 to index
      %get3A_101 = tpu.vector_load %arg6[%get3A_99, %get3A_100] {strides = array<i32>} : memref<16x640xf32, #tpu.memory_space<vmem>>, vector<16xf32>,
      %add3A_102 = arith.addf %add3A_95, %get3A_101 : vector<16xf32>
      %mul3A_103 = arith.constant 16 : i32
      %mul3A_104 = arith.muli %scan3A_44, %mul3A_103 : i32
      %get3A_105 = arith.constant 8 : i32
      %get3A_106 = arith.index_cast %get3A_105 : i32 to index
      %get3A_107 = arith.index_cast %mul3A_104 : i32 to index
      %get3A_108 = tpu.vector_load %arg6[%get3A_106, %get3A_107] {strides = array<i32>} : memref<16x640xf32, #tpu.memory_space<vmem>>, vector<16xf32>,
      %add3A_109 = arith.addf %add3A_102, %get3A_108 : vector<16xf32>
      %mul3A_110 = arith.constant 16 : i32
      %mul3A_111 = arith.muli %scan3A_44, %mul3A_110 : i32
      %get3A_112 = arith.constant 9 : i32
      %get3A_113 = arith.index_cast %get3A_112 : i32 to index
      %get3A_114 = arith.index_cast %mul3A_111 : i32 to index
      %get3A_115 = tpu.vector_load %arg6[%get3A_113, %get3A_114] {strides = array<i32>} : memref<16x640xf32, #tpu.memory_space<vmem>>, vector<16xf32>,
      %add3A_116 = arith.addf %add3A_109, %get3A_115 : vector<16xf32>
      %mul3A_117 = arith.constant 16 : i32
      %mul3A_118 = arith.muli %scan3A_44, %mul3A_117 : i32
      %get3A_119 = arith.constant 10 : i32
      %get3A_120 = arith.index_cast %get3A_119 : i32 to index
      %get3A_121 = arith.index_cast %mul3A_118 : i32 to index
      %get3A_122 = tpu.vector_load %arg6[%get3A_120, %get3A_121] {strides = array<i32>} : memref<16x640xf32, #tpu.memory_space<vmem>>, vector<16xf32>,
      %add3A_123 = arith.addf %add3A_116, %get3A_122 : vector<16xf32>
      %mul3A_124 = arith.constant 16 : i32
      %mul3A_125 = arith.muli %scan3A_44, %mul3A_124 : i32
      %get3A_126 = arith.constant 11 : i32
      %get3A_127 = arith.index_cast %get3A_126 : i32 to index
      %get3A_128 = arith.index_cast %mul3A_125 : i32 to index
      %get3A_129 = tpu.vector_load %arg6[%get3A_127, %get3A_128] {strides = array<i32>} : memref<16x640xf32, #tpu.memory_space<vmem>>, vector<16xf32>,
      %add3A_130 = arith.addf %add3A_123, %get3A_129 : vector<16xf32>
      %mul3A_131 = arith.constant 16 : i32
      %mul3A_132 = arith.muli %scan3A_44, %mul3A_131 : i32
      %get3A_133 = arith.constant 12 : i32
      %get3A_134 = arith.index_cast %get3A_133 : i32 to index
      %get3A_135 = arith.index_cast %mul3A_132 : i32 to index
      %get3A_136 = tpu.vector_load %arg6[%get3A_134, %get3A_135] {strides = array<i32>} : memref<16x640xf32, #tpu.memory_space<vmem>>, vector<16xf32>,
      %add3A_137 = arith.addf %add3A_130, %get3A_136 : vector<16xf32>
      %mul3A_138 = arith.constant 16 : i32
      %mul3A_139 = arith.muli %scan3A_44, %mul3A_138 : i32
      %get3A_140 = arith.constant 13 : i32
      %get3A_141 = arith.index_cast %get3A_140 : i32 to index
      %get3A_142 = arith.index_cast %mul3A_139 : i32 to index
      %get3A_143 = tpu.vector_load %arg6[%get3A_141, %get3A_142] {strides = array<i32>} : memref<16x640xf32, #tpu.memory_space<vmem>>, vector<16xf32>,
      %add3A_144 = arith.addf %add3A_137, %get3A_143 : vector<16xf32>
      %mul3A_145 = arith.constant 16 : i32
      %mul3A_146 = arith.muli %scan3A_44, %mul3A_145 : i32
      %get3A_147 = arith.constant 14 : i32
      %get3A_148 = arith.index_cast %get3A_147 : i32 to index
      %get3A_149 = arith.index_cast %mul3A_146 : i32 to index
      %get3A_150 = tpu.vector_load %arg6[%get3A_148, %get3A_149] {strides = array<i32>} : memref<16x640xf32, #tpu.memory_space<vmem>>, vector<16xf32>,
      %add3A_151 = arith.addf %add3A_144, %get3A_150 : vector<16xf32>
      %mul3A_152 = arith.constant 16 : i32
      %mul3A_153 = arith.muli %scan3A_44, %mul3A_152 : i32
      %get3A_154 = arith.constant 15 : i32
      %get3A_155 = arith.index_cast %get3A_154 : i32 to index
      %get3A_156 = arith.index_cast %mul3A_153 : i32 to index
      %get3A_157 = tpu.vector_load %arg6[%get3A_155, %get3A_156] {strides = array<i32>} : memref<16x640xf32, #tpu.memory_space<vmem>>, vector<16xf32>,
      %add3A_158 = arith.addf %add3A_151, %get3A_157 : vector<16xf32>
      %mul3A_159 = arith.constant 16 : i32
      %mul3A_160 = arith.muli %scan3A_44, %mul3A_159 : i32
      %swap3A = arith.index_cast %mul3A_160 : i32 to index
      %swap3A_161 = tpu.vector_load %arg7[%swap3A] {strides = array<i32>} : memref<640xf32, #tpu.memory_space<vmem>>, vector<16xf32>,
      tpu.vector_store %arg7[%swap3A], %add3A_158 {strides = array<i32>} : memref<640xf32, #tpu.memory_space<vmem>>, vector<16xf32>,
      %scan3A_162 = arith.constant 0 : i32
      scf.yield %scan3A_162 : i32
    }
    %scan3A_38 = arith.constant 40 : i32
    %mul3A_39 = arith.constant 10240 : i32
    %mul3A_40 = arith.muli %arg0, %mul3A_39 : i32
    %mul3A_41 = arith.constant 640 : i32
    %mul3A_42 = arith.muli %arg1, %mul3A_41 : i32
    %add3A_43 = arith.addi %mul3A_40, %mul3A_42 : i32
    "tpu.region"() ({
      %run_scoped3A = tpu.sem_alloc : memref<!tpu.dma_semaphore, #tpu.memory_space<semaphore_mem>>
      %dma_start3A = tpu.memref_slice %arg3[%add3A_43] : memref<20480xf32, #tpu.memory_space<hbm>> -> memref<640xf32, #tpu.memory_space<hbm>>
      %dma_start3A_44 = tpu.memref_slice %arg3[%add3A_43] : memref<20480xf32, #tpu.memory_space<hbm>> -> memref<640xf32, #tpu.memory_space<hbm>>
      tpu.enqueue_dma source(%arg7 : memref<640xf32, #tpu.memory_space<vmem>>) target(%dma_start3A_44 : memref<640xf32, #tpu.memory_space<hbm>>) target_semaphore(%run_scoped3A : memref<!tpu.dma_semaphore, #tpu.memory_space<semaphore_mem>>)
      %dma_wait3A = tpu.memref_slice %arg3[%add3A_43] : memref<20480xf32, #tpu.memory_space<hbm>> -> memref<640xf32, #tpu.memory_space<hbm>>
      %dma_wait3A_45 = tpu.memref_slice %arg3[%add3A_43] : memref<20480xf32, #tpu.memory_space<hbm>> -> memref<640xf32, #tpu.memory_space<hbm>>
      tpu.wait_dma2 semaphore(%run_scoped3A : memref<!tpu.dma_semaphore, #tpu.memory_space<semaphore_mem>>) src(%arg7 : memref<640xf32, #tpu.memory_space<vmem>>) dst(%dma_wait3A_45 : memref<640xf32, #tpu.memory_space<hbm>>)
      tpu.yield
    }) : () -> ()
    return
  }
}

#map = affine_map<(d0, d1) -> (0, 0)>
module attributes {stable_mosaic.version = 14 : i64} {
  func.func @_sc_scatter_body(%arg0: i32, %arg1: i32, %arg2: memref<10240x128xf32, #tpu.memory_space<hbm>>, %arg3: memref<2539x128xi32, #tpu.memory_space<hbm>>, %arg4: memref<2539x128xi32, #tpu.memory_space<hbm>>, %arg5: memref<20480x128xf32, #tpu.memory_space<hbm>>, %arg6: memref<92x128xi32, #tpu.memory_space<vmem>>, %arg7: memref<92x128xi32, #tpu.memory_space<vmem>>, %arg8: memref<128x128xf32, #tpu.memory_space<vmem>>, %arg9: memref<10240x128xf32, #tpu.memory_space<vmem_shared>>, %arg10: memref<!tpu.dma_semaphore, #tpu.memory_space<semaphore_mem>>) attributes {dimension_semantics = [#tpu.dimension_semantics<core_parallel>, #tpu.dimension_semantics<subcore_parallel>], iteration_bounds = array<i64: 2, 16>, scalar_prefetch = 0 : i64, scratch_operands = 5 : i64, tpu.core_type = #tpu.core_type<sc_vector_subcore>, window_params = [{transform_indices = #map}, {transform_indices = #map}, {transform_indices = #map}, {transform_indices = #map}]} {
    %mul3A = arith.constant 640 : i32
    %mul3A_0 = arith.muli %arg1, %mul3A : i32
    %mul3A_1 = arith.constant 640 : i32
    %mul3A_2 = arith.muli %arg1, %mul3A_1 : i32
    "tpu.region"() ({
      %run_scoped3A = tpu.sem_alloc : memref<!tpu.dma_semaphore, #tpu.memory_space<semaphore_mem>>
      %dma_start3A = arith.constant 0 : i32
      %dma_start3A_33 = tpu.memref_slice %arg9[%mul3A_2, %dma_start3A] : memref<10240x128xf32, #tpu.memory_space<vmem_shared>> -> memref<640x128xf32, #tpu.memory_space<vmem_shared>>
      %dma_start3A_34 = arith.constant 0 : i32
      %dma_start3A_35 = tpu.memref_slice %arg2[%mul3A_0, %dma_start3A_34] : memref<10240x128xf32, #tpu.memory_space<hbm>> -> memref<640x128xf32, #tpu.memory_space<hbm>>
      tpu.enqueue_dma source(%dma_start3A_35 : memref<640x128xf32, #tpu.memory_space<hbm>>) target(%dma_start3A_33 : memref<640x128xf32, #tpu.memory_space<vmem_shared>>) target_semaphore(%run_scoped3A : memref<!tpu.dma_semaphore, #tpu.memory_space<semaphore_mem>>)
      %dma_wait3A = arith.constant 0 : i32
      %dma_wait3A_36 = tpu.memref_slice %arg9[%mul3A_2, %dma_wait3A] : memref<10240x128xf32, #tpu.memory_space<vmem_shared>> -> memref<640x128xf32, #tpu.memory_space<vmem_shared>>
      %dma_wait3A_37 = arith.constant 0 : i32
      %dma_wait3A_38 = tpu.memref_slice %arg2[%mul3A_0, %dma_wait3A_37] : memref<10240x128xf32, #tpu.memory_space<hbm>> -> memref<640x128xf32, #tpu.memory_space<hbm>>
      tpu.wait_dma2 semaphore(%run_scoped3A : memref<!tpu.dma_semaphore, #tpu.memory_space<semaphore_mem>>) src(%dma_wait3A_38 : memref<640x128xf32, #tpu.memory_space<hbm>>) dst(%dma_wait3A_36 : memref<640x128xf32, #tpu.memory_space<vmem_shared>>)
      tpu.yield
    }) : () -> ()
    %eq3A = arith.constant 0 : i32
    %eq3A_3 = arith.cmpi eq, %arg0, %eq3A : i32
    %select_n3A = arith.constant 65 : i32
    %select_n3A_4 = arith.constant 92 : i32
    %select_n3A_5 = arith.select %eq3A_3, %select_n3A_4, %select_n3A : i32
    %eq3A_6 = arith.constant 0 : i32
    %eq3A_7 = arith.cmpi eq, %arg0, %eq3A_6 : i32
    %mul3A_8 = arith.constant 92 : i32
    %mul3A_9 = arith.muli %arg1, %mul3A_8 : i32
    %mul3A_10 = arith.constant 65 : i32
    %mul3A_11 = arith.muli %arg1, %mul3A_10 : i32
    %add3A = arith.constant 1472 : i32
    %add3A_12 = arith.addi %add3A, %mul3A_11 : i32
    %select_n3A_13 = arith.select %eq3A_7, %mul3A_9, %add3A_12 : i32
    "tpu.region"() ({
      %run_scoped3A = tpu.sem_alloc : memref<!tpu.dma_semaphore, #tpu.memory_space<semaphore_mem>>
      %dma_start3A = arith.constant 0 : i32
      %dma_start3A_33 = tpu.memref_slice %arg3[%select_n3A_13, %dma_start3A] : memref<2539x128xi32, #tpu.memory_space<hbm>> -> memref<92x128xi32, #tpu.memory_space<hbm>>
      %dma_start3A_34 = arith.constant 0 : i32
      %dma_start3A_35 = tpu.memref_slice %arg3[%select_n3A_13, %dma_start3A_34] : memref<2539x128xi32, #tpu.memory_space<hbm>> -> memref<92x128xi32, #tpu.memory_space<hbm>>
      tpu.enqueue_dma source(%dma_start3A_35 : memref<92x128xi32, #tpu.memory_space<hbm>>) target(%arg6 : memref<92x128xi32, #tpu.memory_space<vmem>>) target_semaphore(%run_scoped3A : memref<!tpu.dma_semaphore, #tpu.memory_space<semaphore_mem>>)
      %dma_wait3A = arith.constant 0 : i32
      %dma_wait3A_36 = tpu.memref_slice %arg3[%select_n3A_13, %dma_wait3A] : memref<2539x128xi32, #tpu.memory_space<hbm>> -> memref<92x128xi32, #tpu.memory_space<hbm>>
      %dma_wait3A_37 = arith.constant 0 : i32
      %dma_wait3A_38 = tpu.memref_slice %arg3[%select_n3A_13, %dma_wait3A_37] : memref<2539x128xi32, #tpu.memory_space<hbm>> -> memref<92x128xi32, #tpu.memory_space<hbm>>
      tpu.wait_dma2 semaphore(%run_scoped3A : memref<!tpu.dma_semaphore, #tpu.memory_space<semaphore_mem>>) src(%dma_wait3A_38 : memref<92x128xi32, #tpu.memory_space<hbm>>) dst(%arg6 : memref<92x128xi32, #tpu.memory_space<vmem>>)
      tpu.yield
    }) : () -> ()
    "tpu.region"() ({
      %run_scoped3A = tpu.sem_alloc : memref<!tpu.dma_semaphore, #tpu.memory_space<semaphore_mem>>
      %dma_start3A = arith.constant 0 : i32
      %dma_start3A_33 = tpu.memref_slice %arg4[%select_n3A_13, %dma_start3A] : memref<2539x128xi32, #tpu.memory_space<hbm>> -> memref<92x128xi32, #tpu.memory_space<hbm>>
      %dma_start3A_34 = arith.constant 0 : i32
      %dma_start3A_35 = tpu.memref_slice %arg4[%select_n3A_13, %dma_start3A_34] : memref<2539x128xi32, #tpu.memory_space<hbm>> -> memref<92x128xi32, #tpu.memory_space<hbm>>
      tpu.enqueue_dma source(%dma_start3A_35 : memref<92x128xi32, #tpu.memory_space<hbm>>) target(%arg7 : memref<92x128xi32, #tpu.memory_space<vmem>>) target_semaphore(%run_scoped3A : memref<!tpu.dma_semaphore, #tpu.memory_space<semaphore_mem>>)
      %dma_wait3A = arith.constant 0 : i32
      %dma_wait3A_36 = tpu.memref_slice %arg4[%select_n3A_13, %dma_wait3A] : memref<2539x128xi32, #tpu.memory_space<hbm>> -> memref<92x128xi32, #tpu.memory_space<hbm>>
      %dma_wait3A_37 = arith.constant 0 : i32
      %dma_wait3A_38 = tpu.memref_slice %arg4[%select_n3A_13, %dma_wait3A_37] : memref<2539x128xi32, #tpu.memory_space<hbm>> -> memref<92x128xi32, #tpu.memory_space<hbm>>
      tpu.wait_dma2 semaphore(%run_scoped3A : memref<!tpu.dma_semaphore, #tpu.memory_space<semaphore_mem>>) src(%dma_wait3A_38 : memref<92x128xi32, #tpu.memory_space<hbm>>) dst(%arg7 : memref<92x128xi32, #tpu.memory_space<vmem>>)
      tpu.yield
    }) : () -> ()
    %barrier3A = arith.constant 0 : index
    tpu.barrier barrier_id(%barrier3A)
    %while3A = arith.constant 0 : i32
    %while3A_14 = arith.constant 0 : i32
    %while3A_15 = arith.subi %select_n3A_5, %while3A : i32
    %while3A_16 = arith.addi %while3A, %while3A_15 : i32
    %while3A_17 = arith.constant 1 : i32
    %while3A_18 = arith.divsi %while3A_15, %while3A_17 : i32
    %while3A_19 = arith.muli %while3A_18, %while3A_17 : i32
    %while3A_20 = arith.addi %while3A, %while3A_19 : i32
    %while3A_21 = arith.constant 1 : i32
    %while3A_22 = scf.for %while3A_33 = %while3A to %while3A_20 step %while3A_21 iter_args(%while3A_34 = %while3A_14) -> (i32)  : i32 {
      %dma_start3A = arith.constant 0 : i32
      %dma_start3A_35 = tpu.memref_slice %arg6[%while3A_33, %dma_start3A] : memref<92x128xi32, #tpu.memory_space<vmem>> -> memref<1x128xi32, #tpu.memory_space<vmem>>
      %dma_start3A_36 = tpu.memref_squeeze %dma_start3A_35 : memref<1x128xi32, #tpu.memory_space<vmem>> -> memref<128xi32, #tpu.memory_space<vmem>>
      %dma_start3A_37 = arith.constant 0 : i32
      %dma_start3A_38 = arith.constant 0 : i32
      %dma_start3A_39 = tpu.memref_slice %arg2[%dma_start3A_37, %dma_start3A_38] : memref<10240x128xf32, #tpu.memory_space<hbm>> -> memref<10240x128xf32, #tpu.memory_space<hbm>>
      tpu.enqueue_indirect_dma source(%dma_start3A_39 : memref<10240x128xf32, #tpu.memory_space<hbm>>) target(%arg8 : memref<128x128xf32, #tpu.memory_space<vmem>>) offsets(%dma_start3A_36 : memref<128xi32, #tpu.memory_space<vmem>>) semaphore(%arg10 : memref<!tpu.dma_semaphore, #tpu.memory_space<semaphore_mem>>)
      %dma_wait3A = arith.constant 0 : i32
      %dma_wait3A_40 = tpu.memref_slice %arg6[%while3A_33, %dma_wait3A] : memref<92x128xi32, #tpu.memory_space<vmem>> -> memref<1x128xi32, #tpu.memory_space<vmem>>
      %dma_wait3A_41 = tpu.memref_squeeze %dma_wait3A_40 : memref<1x128xi32, #tpu.memory_space<vmem>> -> memref<128xi32, #tpu.memory_space<vmem>>
      %dma_wait3A_42 = arith.constant 0 : i32
      %dma_wait3A_43 = arith.constant 0 : i32
      %dma_wait3A_44 = tpu.memref_slice %arg2[%dma_wait3A_42, %dma_wait3A_43] : memref<10240x128xf32, #tpu.memory_space<hbm>> -> memref<10240x128xf32, #tpu.memory_space<hbm>>
      tpu.wait_indirect_dma semaphore(%arg10 : memref<!tpu.dma_semaphore, #tpu.memory_space<semaphore_mem>>) src(%dma_wait3A_44 : memref<10240x128xf32, #tpu.memory_space<hbm>>) dst(%arg8 : memref<128x128xf32, #tpu.memory_space<vmem>>)
      "tpu.region"() ({
        %run_scoped3A = tpu.sem_alloc : memref<!tpu.dma_semaphore, #tpu.memory_space<semaphore_mem>>
        %dma_start3A_46 = arith.constant 0 : i32
        %dma_start3A_47 = tpu.memref_slice %arg7[%while3A_33, %dma_start3A_46] : memref<92x128xi32, #tpu.memory_space<vmem>> -> memref<1x128xi32, #tpu.memory_space<vmem>>
        %dma_start3A_48 = tpu.memref_squeeze %dma_start3A_47 : memref<1x128xi32, #tpu.memory_space<vmem>> -> memref<128xi32, #tpu.memory_space<vmem>>
        %dma_start3A_49 = arith.constant 0 : i32
        %dma_start3A_50 = arith.constant 0 : i32
        %dma_start3A_51 = tpu.memref_slice %arg9[%dma_start3A_49, %dma_start3A_50] : memref<10240x128xf32, #tpu.memory_space<vmem_shared>> -> memref<10240x128xf32, #tpu.memory_space<vmem_shared>>
        tpu.enqueue_indirect_dma source(%arg8 : memref<128x128xf32, #tpu.memory_space<vmem>>) target(%dma_start3A_51 : memref<10240x128xf32, #tpu.memory_space<vmem_shared>>) offsets(%dma_start3A_48 : memref<128xi32, #tpu.memory_space<vmem>>) semaphore(%run_scoped3A : memref<!tpu.dma_semaphore, #tpu.memory_space<semaphore_mem>>) {add = true}
        %dma_wait3A_52 = arith.constant 0 : i32
        %dma_wait3A_53 = tpu.memref_slice %arg7[%while3A_33, %dma_wait3A_52] : memref<92x128xi32, #tpu.memory_space<vmem>> -> memref<1x128xi32, #tpu.memory_space<vmem>>
        %dma_wait3A_54 = tpu.memref_squeeze %dma_wait3A_53 : memref<1x128xi32, #tpu.memory_space<vmem>> -> memref<128xi32, #tpu.memory_space<vmem>>
        %dma_wait3A_55 = arith.constant 0 : i32
        %dma_wait3A_56 = arith.constant 0 : i32
        %dma_wait3A_57 = tpu.memref_slice %arg9[%dma_wait3A_55, %dma_wait3A_56] : memref<10240x128xf32, #tpu.memory_space<vmem_shared>> -> memref<10240x128xf32, #tpu.memory_space<vmem_shared>>
        tpu.wait_indirect_dma semaphore(%run_scoped3A : memref<!tpu.dma_semaphore, #tpu.memory_space<semaphore_mem>>) src(%arg8 : memref<128x128xf32, #tpu.memory_space<vmem>>) dst(%dma_wait3A_57 : memref<10240x128xf32, #tpu.memory_space<vmem_shared>>)
        tpu.yield
      }) : () -> ()
      %while3A_45 = arith.constant 0 : i32
      scf.yield %while3A_45 : i32
    }
    %while3A_23 = arith.constant 1 : i32
    %while3A_24 = scf.for %while3A_33 = %while3A_20 to %while3A_16 step %while3A_23 iter_args(%while3A_34 = %while3A_22) -> (i32)  : i32 {
      %dma_start3A = arith.constant 0 : i32
      %dma_start3A_35 = tpu.memref_slice %arg6[%while3A_33, %dma_start3A] : memref<92x128xi32, #tpu.memory_space<vmem>> -> memref<1x128xi32, #tpu.memory_space<vmem>>
      %dma_start3A_36 = tpu.memref_squeeze %dma_start3A_35 : memref<1x128xi32, #tpu.memory_space<vmem>> -> memref<128xi32, #tpu.memory_space<vmem>>
      %dma_start3A_37 = arith.constant 0 : i32
      %dma_start3A_38 = arith.constant 0 : i32
      %dma_start3A_39 = tpu.memref_slice %arg2[%dma_start3A_37, %dma_start3A_38] : memref<10240x128xf32, #tpu.memory_space<hbm>> -> memref<10240x128xf32, #tpu.memory_space<hbm>>
      tpu.enqueue_indirect_dma source(%dma_start3A_39 : memref<10240x128xf32, #tpu.memory_space<hbm>>) target(%arg8 : memref<128x128xf32, #tpu.memory_space<vmem>>) offsets(%dma_start3A_36 : memref<128xi32, #tpu.memory_space<vmem>>) semaphore(%arg10 : memref<!tpu.dma_semaphore, #tpu.memory_space<semaphore_mem>>)
      %dma_wait3A = arith.constant 0 : i32
      %dma_wait3A_40 = tpu.memref_slice %arg6[%while3A_33, %dma_wait3A] : memref<92x128xi32, #tpu.memory_space<vmem>> -> memref<1x128xi32, #tpu.memory_space<vmem>>
      %dma_wait3A_41 = tpu.memref_squeeze %dma_wait3A_40 : memref<1x128xi32, #tpu.memory_space<vmem>> -> memref<128xi32, #tpu.memory_space<vmem>>
      %dma_wait3A_42 = arith.constant 0 : i32
      %dma_wait3A_43 = arith.constant 0 : i32
      %dma_wait3A_44 = tpu.memref_slice %arg2[%dma_wait3A_42, %dma_wait3A_43] : memref<10240x128xf32, #tpu.memory_space<hbm>> -> memref<10240x128xf32, #tpu.memory_space<hbm>>
      tpu.wait_indirect_dma semaphore(%arg10 : memref<!tpu.dma_semaphore, #tpu.memory_space<semaphore_mem>>) src(%dma_wait3A_44 : memref<10240x128xf32, #tpu.memory_space<hbm>>) dst(%arg8 : memref<128x128xf32, #tpu.memory_space<vmem>>)
      "tpu.region"() ({
        %run_scoped3A = tpu.sem_alloc : memref<!tpu.dma_semaphore, #tpu.memory_space<semaphore_mem>>
        %dma_start3A_46 = arith.constant 0 : i32
        %dma_start3A_47 = tpu.memref_slice %arg7[%while3A_33, %dma_start3A_46] : memref<92x128xi32, #tpu.memory_space<vmem>> -> memref<1x128xi32, #tpu.memory_space<vmem>>
        %dma_start3A_48 = tpu.memref_squeeze %dma_start3A_47 : memref<1x128xi32, #tpu.memory_space<vmem>> -> memref<128xi32, #tpu.memory_space<vmem>>
        %dma_start3A_49 = arith.constant 0 : i32
        %dma_start3A_50 = arith.constant 0 : i32
        %dma_start3A_51 = tpu.memref_slice %arg9[%dma_start3A_49, %dma_start3A_50] : memref<10240x128xf32, #tpu.memory_space<vmem_shared>> -> memref<10240x128xf32, #tpu.memory_space<vmem_shared>>
        tpu.enqueue_indirect_dma source(%arg8 : memref<128x128xf32, #tpu.memory_space<vmem>>) target(%dma_start3A_51 : memref<10240x128xf32, #tpu.memory_space<vmem_shared>>) offsets(%dma_start3A_48 : memref<128xi32, #tpu.memory_space<vmem>>) semaphore(%run_scoped3A : memref<!tpu.dma_semaphore, #tpu.memory_space<semaphore_mem>>) {add = true}
        %dma_wait3A_52 = arith.constant 0 : i32
        %dma_wait3A_53 = tpu.memref_slice %arg7[%while3A_33, %dma_wait3A_52] : memref<92x128xi32, #tpu.memory_space<vmem>> -> memref<1x128xi32, #tpu.memory_space<vmem>>
        %dma_wait3A_54 = tpu.memref_squeeze %dma_wait3A_53 : memref<1x128xi32, #tpu.memory_space<vmem>> -> memref<128xi32, #tpu.memory_space<vmem>>
        %dma_wait3A_55 = arith.constant 0 : i32
        %dma_wait3A_56 = arith.constant 0 : i32
        %dma_wait3A_57 = tpu.memref_slice %arg9[%dma_wait3A_55, %dma_wait3A_56] : memref<10240x128xf32, #tpu.memory_space<vmem_shared>> -> memref<10240x128xf32, #tpu.memory_space<vmem_shared>>
        tpu.wait_indirect_dma semaphore(%run_scoped3A : memref<!tpu.dma_semaphore, #tpu.memory_space<semaphore_mem>>) src(%arg8 : memref<128x128xf32, #tpu.memory_space<vmem>>) dst(%dma_wait3A_57 : memref<10240x128xf32, #tpu.memory_space<vmem_shared>>)
        tpu.yield
      }) : () -> ()
      %while3A_45 = arith.constant 0 : i32
      scf.yield %while3A_45 : i32
    }
    %barrier3A_25 = arith.constant 0 : index
    tpu.barrier barrier_id(%barrier3A_25)
    %mul3A_26 = arith.constant 640 : i32
    %mul3A_27 = arith.muli %arg1, %mul3A_26 : i32
    %mul3A_28 = arith.constant 10240 : i32
    %mul3A_29 = arith.muli %arg0, %mul3A_28 : i32
    %mul3A_30 = arith.constant 640 : i32
    %mul3A_31 = arith.muli %arg1, %mul3A_30 : i32
    %add3A_32 = arith.addi %mul3A_29, %mul3A_31 : i32
    "tpu.region"() ({
      %run_scoped3A = tpu.sem_alloc : memref<!tpu.dma_semaphore, #tpu.memory_space<semaphore_mem>>
      %dma_start3A = arith.constant 0 : i32
      %dma_start3A_33 = tpu.memref_slice %arg5[%add3A_32, %dma_start3A] : memref<20480x128xf32, #tpu.memory_space<hbm>> -> memref<640x128xf32, #tpu.memory_space<hbm>>
      %dma_start3A_34 = arith.constant 0 : i32
      %dma_start3A_35 = tpu.memref_slice %arg9[%mul3A_27, %dma_start3A_34] : memref<10240x128xf32, #tpu.memory_space<vmem_shared>> -> memref<640x128xf32, #tpu.memory_space<vmem_shared>>
      tpu.enqueue_dma source(%dma_start3A_35 : memref<640x128xf32, #tpu.memory_space<vmem_shared>>) target(%dma_start3A_33 : memref<640x128xf32, #tpu.memory_space<hbm>>) target_semaphore(%run_scoped3A : memref<!tpu.dma_semaphore, #tpu.memory_space<semaphore_mem>>)
      %dma_wait3A = arith.constant 0 : i32
      %dma_wait3A_36 = tpu.memref_slice %arg5[%add3A_32, %dma_wait3A] : memref<20480x128xf32, #tpu.memory_space<hbm>> -> memref<640x128xf32, #tpu.memory_space<hbm>>
      %dma_wait3A_37 = arith.constant 0 : i32
      %dma_wait3A_38 = tpu.memref_slice %arg9[%mul3A_27, %dma_wait3A_37] : memref<10240x128xf32, #tpu.memory_space<vmem_shared>> -> memref<640x128xf32, #tpu.memory_space<vmem_shared>>
      tpu.wait_dma2 semaphore(%run_scoped3A : memref<!tpu.dma_semaphore, #tpu.memory_space<semaphore_mem>>) src(%dma_wait3A_38 : memref<640x128xf32, #tpu.memory_space<vmem_shared>>) dst(%dma_wait3A_36 : memref<640x128xf32, #tpu.memory_space<hbm>>)
      tpu.yield
    }) : () -> ()
    return
  }
}

module attributes {stable_mosaic.version = 14 : i64} {
  func.func @_mm_scale_body(%arg0: i32, %arg1: memref<256x128xf32, #tpu.memory_space<vmem>>, %arg2: memref<256x1xf32, #tpu.memory_space<vmem>>, %arg3: memref<256x1xf32, #tpu.memory_space<vmem>>, %arg4: memref<128x128xf32, #tpu.memory_space<vmem>>, %arg5: memref<256x128xf32, #tpu.memory_space<vmem>>) attributes {dimension_semantics = [#tpu.dimension_semantics<arbitrary>], iteration_bounds = array<i64: 40>, scalar_prefetch = 0 : i64, scratch_operands = 0 : i64, tpu.core_type = #tpu.core_type<tc>, window_params = [{transform_indices = @transform_0, window_bounds = array<i64: 256, 128>}, {transform_indices = @transform_1, window_bounds = array<i64: 256, 1>}, {transform_indices = @transform_2, window_bounds = array<i64: 256, 1>}, {pipeline_mode = #tpu.pipeline_mode<synchronous>, transform_indices = @transform_3, window_bounds = array<i64: 128, 128>}, {transform_indices = @transform_4, window_bounds = array<i64: 256, 128>}]} {
    %get3A = arith.constant 0 : index
    %get3A_0 = arith.constant 0 : index
    %get3A_1 = vector.load %arg2[%get3A, %get3A_0] : memref<256x1xf32, #tpu.memory_space<vmem>>, vector<256x1xf32>
    %add3A = arith.constant 1.000000e+00 : f32
    %add3A_2 = vector.broadcast %add3A : f32 to vector<256x1xf32>
    %add3A_3 = arith.addf %add3A_2, %get3A_1 : vector<256x1xf32>
    %get3A_4 = arith.constant 0 : index
    %get3A_5 = arith.constant 0 : index
    %get3A_6 = vector.load %arg3[%get3A_4, %get3A_5] : memref<256x1xf32, #tpu.memory_space<vmem>>, vector<256x1xf32>
    %add3A_7 = arith.addf %add3A_3, %get3A_6 : vector<256x1xf32>
    %rsqrt3A = math.rsqrt %add3A_7 : vector<256x1xf32>
    %get3A_8 = arith.constant 0 : index
    %get3A_9 = arith.constant 0 : index
    %get3A_10 = vector.load %arg1[%get3A_8, %get3A_9] : memref<256x128xf32, #tpu.memory_space<vmem>>, vector<256x128xf32>
    %get3A_11 = arith.constant 0 : index
    %get3A_12 = arith.constant 0 : index
    %get3A_13 = vector.load %arg4[%get3A_11, %get3A_12] : memref<128x128xf32, #tpu.memory_space<vmem>>, vector<128x128xf32>
    %dot_general3A = arith.constant dense<0.000000e+00> : vector<256x128xf32>
    %dot_general3A_14 = tpu.matmul %get3A_10, %get3A_13, %dot_general3A {dimension_numbers = #tpu.dot_dimension_numbers<[1], [0], [0], [1], [0, 0, 1, 1], [], []>, transpose_lhs_hint = false} : vector<256x128xf32>, vector<128x128xf32>, vector<256x128xf32> -> vector<256x128xf32>
    %mul3A = vector.broadcast %rsqrt3A : vector<256x1xf32> to vector<256x128xf32>
    %mul3A_15 = arith.mulf %dot_general3A_14, %mul3A : vector<256x128xf32>
    %swap3A = arith.constant 0 : index
    %swap3A_16 = arith.constant 0 : index
    %swap3A_17 = vector.load %arg5[%swap3A, %swap3A_16] : memref<256x128xf32, #tpu.memory_space<vmem>>, vector<256x128xf32>
    tpu.vector_store %arg5[%swap3A, %swap3A_16], %mul3A_15 {strides = array<i32>} : memref<256x128xf32, #tpu.memory_space<vmem>>, vector<256x128xf32>,
    return
  }
  func.func @transform_0(%arg0: i32) -> (i32, i32) {
    %c0_i32 = arith.constant 0 : i32
    %c0_i32_0 = arith.constant 0 : i32
    return %arg0, %c0_i32 : i32, i32
  }
  func.func @transform_1(%arg0: i32) -> (i32, i32) {
    %c0_i32 = arith.constant 0 : i32
    %c0_i32_0 = arith.constant 0 : i32
    return %arg0, %c0_i32 : i32, i32
  }
  func.func @transform_2(%arg0: i32) -> (i32, i32) {
    %c0_i32 = arith.constant 0 : i32
    %c0_i32_0 = arith.constant 0 : i32
    return %arg0, %c0_i32 : i32, i32
  }
  func.func @transform_3(%arg0: i32) -> (i32, i32) {
    %c0_i32 = arith.constant 0 : i32
    %c0_i32_0 = arith.constant 0 : i32
    %c0_i32_1 = arith.constant 0 : i32
    return %c0_i32, %c0_i32_0 : i32, i32
  }
  func.func @transform_4(%arg0: i32) -> (i32, i32) {
    %c0_i32 = arith.constant 0 : i32
    %c0_i32_0 = arith.constant 0 : i32
    return %arg0, %c0_i32 : i32, i32
  }
}

module attributes {stable_mosaic.version = 14 : i64} {
  func.func @_conv_out_head_body(%arg0: i32, %arg1: memref<1x256x128xf32, #tpu.memory_space<vmem>>, %arg2: memref<1x256x128xf32, #tpu.memory_space<vmem>>, %arg3: memref<256x128xf32, #tpu.memory_space<vmem>>, %arg4: memref<256x1xf32, #tpu.memory_space<vmem>>, %arg5: memref<256x1xf32, #tpu.memory_space<vmem>>, %arg6: memref<1x128xf32, #tpu.memory_space<vmem>>, %arg7: memref<128x64xf32, #tpu.memory_space<vmem>>, %arg8: memref<1x64xf32, #tpu.memory_space<vmem>>, %arg9: memref<256x64xf32, #tpu.memory_space<vmem>>) attributes {dimension_semantics = [#tpu.dimension_semantics<arbitrary>], iteration_bounds = array<i64: 40>, scalar_prefetch = 0 : i64, scratch_operands = 0 : i64, tpu.core_type = #tpu.core_type<tc>, window_params = [{transform_indices = @transform_0, window_bounds = array<i64: 1, 256, 128>}, {transform_indices = @transform_1, window_bounds = array<i64: 1, 256, 128>}, {transform_indices = @transform_2, window_bounds = array<i64: 256, 128>}, {transform_indices = @transform_3, window_bounds = array<i64: 256, 1>}, {transform_indices = @transform_4, window_bounds = array<i64: 256, 1>}, {pipeline_mode = #tpu.pipeline_mode<synchronous>, transform_indices = @transform_5, window_bounds = array<i64: 1, 128>}, {pipeline_mode = #tpu.pipeline_mode<synchronous>, transform_indices = @transform_6, window_bounds = array<i64: 128, 64>}, {pipeline_mode = #tpu.pipeline_mode<synchronous>, transform_indices = @transform_7, window_bounds = array<i64: 1, 64>}, {transform_indices = @transform_8, window_bounds = array<i64: 256, 64>}]} {
    %get3A = arith.constant 0 : index
    %get3A_0 = arith.constant 0 : index
    %get3A_1 = vector.load %arg4[%get3A, %get3A_0] : memref<256x1xf32, #tpu.memory_space<vmem>>, vector<256x1xf32>
    %add3A = arith.constant 1.000000e+00 : f32
    %add3A_2 = vector.broadcast %add3A : f32 to vector<256x1xf32>
    %add3A_3 = arith.addf %add3A_2, %get3A_1 : vector<256x1xf32>
    %get3A_4 = arith.constant 0 : index
    %get3A_5 = arith.constant 0 : index
    %get3A_6 = vector.load %arg5[%get3A_4, %get3A_5] : memref<256x1xf32, #tpu.memory_space<vmem>>, vector<256x1xf32>
    %add3A_7 = arith.addf %add3A_3, %get3A_6 : vector<256x1xf32>
    %rsqrt3A = math.rsqrt %add3A_7 : vector<256x1xf32>
    %get3A_8 = arith.constant 0 : index
    %get3A_9 = arith.constant 0 : index
    %get3A_10 = arith.constant 0 : index
    %get3A_11 = vector.load %arg1[%get3A_8, %get3A_9, %get3A_10] : memref<1x256x128xf32, #tpu.memory_space<vmem>>, vector<1x256x128xf32>
    %get3A_12 = vector.shape_cast %get3A_11 : vector<1x256x128xf32> to vector<256x128xf32>
    %get3A_13 = arith.constant 0 : index
    %get3A_14 = arith.constant 0 : index
    %get3A_15 = arith.constant 0 : index
    %get3A_16 = vector.load %arg2[%get3A_13, %get3A_14, %get3A_15] : memref<1x256x128xf32, #tpu.memory_space<vmem>>, vector<1x256x128xf32>
    %get3A_17 = vector.shape_cast %get3A_16 : vector<1x256x128xf32> to vector<256x128xf32>
    %add3A_18 = arith.addf %get3A_12, %get3A_17 : vector<256x128xf32>
    %get3A_19 = arith.constant 0 : index
    %get3A_20 = arith.constant 0 : index
    %get3A_21 = vector.load %arg3[%get3A_19, %get3A_20] : memref<256x128xf32, #tpu.memory_space<vmem>>, vector<256x128xf32>
    %sub3A = arith.subf %add3A_18, %get3A_21 : vector<256x128xf32>
    %mul3A = vector.broadcast %rsqrt3A : vector<256x1xf32> to vector<256x128xf32>
    %mul3A_22 = arith.mulf %sub3A, %mul3A : vector<256x128xf32>
    %get3A_23 = arith.constant 0 : index
    %get3A_24 = arith.constant 0 : index
    %get3A_25 = vector.load %arg6[%get3A_23, %get3A_24] : memref<1x128xf32, #tpu.memory_space<vmem>>, vector<1x128xf32>
    %add3A_26 = vector.broadcast %get3A_25 : vector<1x128xf32> to vector<256x128xf32>
    %add3A_27 = arith.addf %mul3A_22, %add3A_26 : vector<256x128xf32>
    %max3A = arith.constant 0.000000e+00 : f32
    %max3A_28 = vector.broadcast %max3A : f32 to vector<256x128xf32>
    %max3A_29 = arith.maximumf %add3A_27, %max3A_28 : vector<256x128xf32>
    %get3A_30 = arith.constant 0 : index
    %get3A_31 = arith.constant 0 : index
    %get3A_32 = vector.load %arg7[%get3A_30, %get3A_31] : memref<128x64xf32, #tpu.memory_space<vmem>>, vector<128x64xf32>
    %dot_general3A = arith.constant dense<0.000000e+00> : vector<256x64xf32>
    %dot_general3A_33 = tpu.matmul %max3A_29, %get3A_32, %dot_general3A {dimension_numbers = #tpu.dot_dimension_numbers<[1], [0], [0], [1], [0, 0, 1, 1], [], []>, transpose_lhs_hint = false} : vector<256x128xf32>, vector<128x64xf32>, vector<256x64xf32> -> vector<256x64xf32>
    %get3A_34 = arith.constant 0 : index
    %get3A_35 = arith.constant 0 : index
    %get3A_36 = vector.load %arg8[%get3A_34, %get3A_35] : memref<1x64xf32, #tpu.memory_space<vmem>>, vector<1x64xf32>
    %add3A_37 = vector.broadcast %get3A_36 : vector<1x64xf32> to vector<256x64xf32>
    %add3A_38 = arith.addf %dot_general3A_33, %add3A_37 : vector<256x64xf32>
    %max3A_39 = arith.constant 0.000000e+00 : f32
    %max3A_40 = vector.broadcast %max3A_39 : f32 to vector<256x64xf32>
    %max3A_41 = arith.maximumf %add3A_38, %max3A_40 : vector<256x64xf32>
    %swap3A = arith.constant 0 : index
    %swap3A_42 = arith.constant 0 : index
    %swap3A_43 = vector.load %arg9[%swap3A, %swap3A_42] : memref<256x64xf32, #tpu.memory_space<vmem>>, vector<256x64xf32>
    tpu.vector_store %arg9[%swap3A, %swap3A_42], %max3A_41 {strides = array<i32>} : memref<256x64xf32, #tpu.memory_space<vmem>>, vector<256x64xf32>,
    return
  }
  func.func @transform_0(%arg0: i32) -> (i32, i32, i32) {
    %c0_i32 = arith.constant 0 : i32
    %c0_i32_0 = arith.constant 0 : i32
    %c0_i32_1 = arith.constant 0 : i32
    return %c0_i32, %arg0, %c0_i32_0 : i32, i32, i32
  }
  func.func @transform_1(%arg0: i32) -> (i32, i32, i32) {
    %c1_i32 = arith.constant 1 : i32
    %c0_i32 = arith.constant 0 : i32
    %c0_i32_0 = arith.constant 0 : i32
    return %c1_i32, %arg0, %c0_i32 : i32, i32, i32
  }
  func.func @transform_2(%arg0: i32) -> (i32, i32) {
    %c0_i32 = arith.constant 0 : i32
    %c0_i32_0 = arith.constant 0 : i32
    return %arg0, %c0_i32 : i32, i32
  }
  func.func @transform_3(%arg0: i32) -> (i32, i32) {
    %c0_i32 = arith.constant 0 : i32
    %c0_i32_0 = arith.constant 0 : i32
    return %arg0, %c0_i32 : i32, i32
  }
  func.func @transform_4(%arg0: i32) -> (i32, i32) {
    %c0_i32 = arith.constant 0 : i32
    %c0_i32_0 = arith.constant 0 : i32
    return %arg0, %c0_i32 : i32, i32
  }
  func.func @transform_5(%arg0: i32) -> (i32, i32) {
    %c0_i32 = arith.constant 0 : i32
    %c0_i32_0 = arith.constant 0 : i32
    %c0_i32_1 = arith.constant 0 : i32
    return %c0_i32, %c0_i32_0 : i32, i32
  }
  func.func @transform_6(%arg0: i32) -> (i32, i32) {
    %c0_i32 = arith.constant 0 : i32
    %c0_i32_0 = arith.constant 0 : i32
    %c0_i32_1 = arith.constant 0 : i32
    return %c0_i32, %c0_i32_0 : i32, i32
  }
  func.func @transform_7(%arg0: i32) -> (i32, i32) {
    %c0_i32 = arith.constant 0 : i32
    %c0_i32_0 = arith.constant 0 : i32
    %c0_i32_1 = arith.constant 0 : i32
    return %c0_i32, %c0_i32_0 : i32, i32
  }
  func.func @transform_8(%arg0: i32) -> (i32, i32) {
    %c0_i32 = arith.constant 0 : i32
    %c0_i32_0 = arith.constant 0 : i32
    return %arg0, %c0_i32 : i32, i32
  }
}

module attributes {stable_mosaic.version = 14 : i64} {
  func.func @_conv_out_mm_body(%arg0: i32, %arg1: memref<1x256x128xf32, #tpu.memory_space<vmem>>, %arg2: memref<1x256x128xf32, #tpu.memory_space<vmem>>, %arg3: memref<256x128xf32, #tpu.memory_space<vmem>>, %arg4: memref<256x1xf32, #tpu.memory_space<vmem>>, %arg5: memref<256x1xf32, #tpu.memory_space<vmem>>, %arg6: memref<1x128xf32, #tpu.memory_space<vmem>>, %arg7: memref<128x128xf32, #tpu.memory_space<vmem>>, %arg8: memref<256x128xf32, #tpu.memory_space<vmem>>) attributes {dimension_semantics = [#tpu.dimension_semantics<arbitrary>], iteration_bounds = array<i64: 40>, scalar_prefetch = 0 : i64, scratch_operands = 0 : i64, tpu.core_type = #tpu.core_type<tc>, window_params = [{transform_indices = @transform_0, window_bounds = array<i64: 1, 256, 128>}, {transform_indices = @transform_1, window_bounds = array<i64: 1, 256, 128>}, {transform_indices = @transform_2, window_bounds = array<i64: 256, 128>}, {transform_indices = @transform_3, window_bounds = array<i64: 256, 1>}, {transform_indices = @transform_4, window_bounds = array<i64: 256, 1>}, {pipeline_mode = #tpu.pipeline_mode<synchronous>, transform_indices = @transform_5, window_bounds = array<i64: 1, 128>}, {pipeline_mode = #tpu.pipeline_mode<synchronous>, transform_indices = @transform_6, window_bounds = array<i64: 128, 128>}, {transform_indices = @transform_7, window_bounds = array<i64: 256, 128>}]} {
    %get3A = arith.constant 0 : index
    %get3A_0 = arith.constant 0 : index
    %get3A_1 = vector.load %arg4[%get3A, %get3A_0] : memref<256x1xf32, #tpu.memory_space<vmem>>, vector<256x1xf32>
    %add3A = arith.constant 1.000000e+00 : f32
    %add3A_2 = vector.broadcast %add3A : f32 to vector<256x1xf32>
    %add3A_3 = arith.addf %add3A_2, %get3A_1 : vector<256x1xf32>
    %get3A_4 = arith.constant 0 : index
    %get3A_5 = arith.constant 0 : index
    %get3A_6 = vector.load %arg5[%get3A_4, %get3A_5] : memref<256x1xf32, #tpu.memory_space<vmem>>, vector<256x1xf32>
    %add3A_7 = arith.addf %add3A_3, %get3A_6 : vector<256x1xf32>
    %rsqrt3A = math.rsqrt %add3A_7 : vector<256x1xf32>
    %get3A_8 = arith.constant 0 : index
    %get3A_9 = arith.constant 0 : index
    %get3A_10 = arith.constant 0 : index
    %get3A_11 = vector.load %arg1[%get3A_8, %get3A_9, %get3A_10] : memref<1x256x128xf32, #tpu.memory_space<vmem>>, vector<1x256x128xf32>
    %get3A_12 = vector.shape_cast %get3A_11 : vector<1x256x128xf32> to vector<256x128xf32>
    %get3A_13 = arith.constant 0 : index
    %get3A_14 = arith.constant 0 : index
    %get3A_15 = arith.constant 0 : index
    %get3A_16 = vector.load %arg2[%get3A_13, %get3A_14, %get3A_15] : memref<1x256x128xf32, #tpu.memory_space<vmem>>, vector<1x256x128xf32>
    %get3A_17 = vector.shape_cast %get3A_16 : vector<1x256x128xf32> to vector<256x128xf32>
    %add3A_18 = arith.addf %get3A_12, %get3A_17 : vector<256x128xf32>
    %get3A_19 = arith.constant 0 : index
    %get3A_20 = arith.constant 0 : index
    %get3A_21 = vector.load %arg3[%get3A_19, %get3A_20] : memref<256x128xf32, #tpu.memory_space<vmem>>, vector<256x128xf32>
    %sub3A = arith.subf %add3A_18, %get3A_21 : vector<256x128xf32>
    %mul3A = vector.broadcast %rsqrt3A : vector<256x1xf32> to vector<256x128xf32>
    %mul3A_22 = arith.mulf %sub3A, %mul3A : vector<256x128xf32>
    %get3A_23 = arith.constant 0 : index
    %get3A_24 = arith.constant 0 : index
    %get3A_25 = vector.load %arg6[%get3A_23, %get3A_24] : memref<1x128xf32, #tpu.memory_space<vmem>>, vector<1x128xf32>
    %add3A_26 = vector.broadcast %get3A_25 : vector<1x128xf32> to vector<256x128xf32>
    %add3A_27 = arith.addf %mul3A_22, %add3A_26 : vector<256x128xf32>
    %max3A = arith.constant 0.000000e+00 : f32
    %max3A_28 = vector.broadcast %max3A : f32 to vector<256x128xf32>
    %max3A_29 = arith.maximumf %add3A_27, %max3A_28 : vector<256x128xf32>
    %get3A_30 = arith.constant 0 : index
    %get3A_31 = arith.constant 0 : index
    %get3A_32 = vector.load %arg7[%get3A_30, %get3A_31] : memref<128x128xf32, #tpu.memory_space<vmem>>, vector<128x128xf32>
    %dot_general3A = arith.constant dense<0.000000e+00> : vector<256x128xf32>
    %dot_general3A_33 = tpu.matmul %max3A_29, %get3A_32, %dot_general3A {dimension_numbers = #tpu.dot_dimension_numbers<[1], [0], [0], [1], [0, 0, 1, 1], [], []>, transpose_lhs_hint = false} : vector<256x128xf32>, vector<128x128xf32>, vector<256x128xf32> -> vector<256x128xf32>
    %mul3A_34 = vector.broadcast %rsqrt3A : vector<256x1xf32> to vector<256x128xf32>
    %mul3A_35 = arith.mulf %dot_general3A_33, %mul3A_34 : vector<256x128xf32>
    %swap3A = arith.constant 0 : index
    %swap3A_36 = arith.constant 0 : index
    %swap3A_37 = vector.load %arg8[%swap3A, %swap3A_36] : memref<256x128xf32, #tpu.memory_space<vmem>>, vector<256x128xf32>
    tpu.vector_store %arg8[%swap3A, %swap3A_36], %mul3A_35 {strides = array<i32>} : memref<256x128xf32, #tpu.memory_space<vmem>>, vector<256x128xf32>,
    return
  }
  func.func @transform_0(%arg0: i32) -> (i32, i32, i32) {
    %c0_i32 = arith.constant 0 : i32
    %c0_i32_0 = arith.constant 0 : i32
    %c0_i32_1 = arith.constant 0 : i32
    return %c0_i32, %arg0, %c0_i32_0 : i32, i32, i32
  }
  func.func @transform_1(%arg0: i32) -> (i32, i32, i32) {
    %c1_i32 = arith.constant 1 : i32
    %c0_i32 = arith.constant 0 : i32
    %c0_i32_0 = arith.constant 0 : i32
    return %c1_i32, %arg0, %c0_i32 : i32, i32, i32
  }
  func.func @transform_2(%arg0: i32) -> (i32, i32) {
    %c0_i32 = arith.constant 0 : i32
    %c0_i32_0 = arith.constant 0 : i32
    return %arg0, %c0_i32 : i32, i32
  }
  func.func @transform_3(%arg0: i32) -> (i32, i32) {
    %c0_i32 = arith.constant 0 : i32
    %c0_i32_0 = arith.constant 0 : i32
    return %arg0, %c0_i32 : i32, i32
  }
  func.func @transform_4(%arg0: i32) -> (i32, i32) {
    %c0_i32 = arith.constant 0 : i32
    %c0_i32_0 = arith.constant 0 : i32
    return %arg0, %c0_i32 : i32, i32
  }
  func.func @transform_5(%arg0: i32) -> (i32, i32) {
    %c0_i32 = arith.constant 0 : i32
    %c0_i32_0 = arith.constant 0 : i32
    %c0_i32_1 = arith.constant 0 : i32
    return %c0_i32, %c0_i32_0 : i32, i32
  }
  func.func @transform_6(%arg0: i32) -> (i32, i32) {
    %c0_i32 = arith.constant 0 : i32
    %c0_i32_0 = arith.constant 0 : i32
    %c0_i32_1 = arith.constant 0 : i32
    return %c0_i32, %c0_i32_0 : i32, i32
  }
  func.func @transform_7(%arg0: i32) -> (i32, i32) {
    %c0_i32 = arith.constant 0 : i32
    %c0_i32_0 = arith.constant 0 : i32
    return %arg0, %c0_i32 : i32, i32
  }
}

module attributes {stable_mosaic.version = 14 : i64} {
  func.func @_scores_body(%arg0: i32, %arg1: i32, %arg2: memref<512x64xf32, #tpu.memory_space<vmem>>, %arg3: memref<512x64xf32, #tpu.memory_space<vmem>>, %arg4: memref<512x512xf32, #tpu.memory_space<vmem>>) attributes {dimension_semantics = [#tpu.dimension_semantics<arbitrary>, #tpu.dimension_semantics<arbitrary>], iteration_bounds = array<i64: 4, 16>, scalar_prefetch = 0 : i64, scratch_operands = 0 : i64, tpu.core_type = #tpu.core_type<tc>, window_params = [{transform_indices = @transform_0, window_bounds = array<i64: 512, 64>}, {transform_indices = @transform_1, window_bounds = array<i64: 512, 64>}, {transform_indices = @transform_2, window_bounds = array<i64: 512, 512>}]} {
    %get3A = arith.constant 0 : index
    %get3A_0 = arith.constant 0 : index
    %get3A_1 = vector.load %arg2[%get3A, %get3A_0] : memref<512x64xf32, #tpu.memory_space<vmem>>, vector<512x64xf32>
    %get3A_2 = arith.constant 0 : index
    %get3A_3 = arith.constant 0 : index
    %get3A_4 = vector.load %arg3[%get3A_2, %get3A_3] : memref<512x64xf32, #tpu.memory_space<vmem>>, vector<512x64xf32>
    %dot_general3A = arith.constant dense<0.000000e+00> : vector<512x512xf32>
    %dot_general3A_5 = tpu.matmul %get3A_1, %get3A_4, %dot_general3A {dimension_numbers = #tpu.dot_dimension_numbers<[1], [1], [0], [0], [0, 0, 1, 0], [], []>, transpose_lhs_hint = false} : vector<512x64xf32>, vector<512x64xf32>, vector<512x512xf32> -> vector<512x512xf32>
    %jit3A = arith.constant 1.000000e+00 : f32
    %jit3A_6 = arith.constant 5.000000e+00 : f32
    %max3A = vector.broadcast %jit3A : f32 to vector<512x512xf32>
    %max3A_7 = arith.maximumf %max3A, %dot_general3A_5 : vector<512x512xf32>
    %min3A = vector.broadcast %jit3A_6 : f32 to vector<512x512xf32>
    %min3A_8 = arith.minimumf %min3A, %max3A_7 : vector<512x512xf32>
    %swap3A = arith.constant 0 : index
    %swap3A_9 = arith.constant 0 : index
    %swap3A_10 = vector.load %arg4[%swap3A, %swap3A_9] : memref<512x512xf32, #tpu.memory_space<vmem>>, vector<512x512xf32>
    tpu.vector_store %arg4[%swap3A, %swap3A_9], %min3A_8 {strides = array<i32>} : memref<512x512xf32, #tpu.memory_space<vmem>>, vector<512x512xf32>,
    return
  }
  func.func @transform_0(%arg0: i32, %arg1: i32) -> (i32, i32) {
    %c0_i32 = arith.constant 0 : i32
    %c0_i32_0 = arith.constant 0 : i32
    return %arg0, %c0_i32 : i32, i32
  }
  func.func @transform_1(%arg0: i32, %arg1: i32) -> (i32, i32) {
    %c0_i32 = arith.constant 0 : i32
    %c0_i32_0 = arith.constant 0 : i32
    return %arg1, %c0_i32 : i32, i32
  }
  func.func @transform_2(%arg0: i32, %arg1: i32) -> (i32, i32) {
    %c0_i32 = arith.constant 0 : i32
    return %arg0, %arg1 : i32, i32
  }
}

</mosaic_0001>

<sc_bundles>
// kernel: kernel.12.cloned.1.call-start
scs
__scs_entry_jumppad:
0x0: {  	(pc) =	sbr.rel $0x88, $3  }
0x1: {  	(tag) =	ssettag $0x0;
	lr =	simm.s32 $0x1  }
0x2: {  	[smem:$0x3F99] =	sst lr;
	_ =	strace $0xD0000000  }
0x3: {  	_ = 	snop  }
0x4: {  	_ = 	snop  }
0x5: {  	_ = 	snop  }
0x6: {  	_ = 	snop  }
0x7: {  	_ = 	snop  }
__scs_overlays_trampoline_lowered:
0x8: {  	[smem:$0x3FA8] =	sst s0  }
0x9: {  	[smem:$0x3FA9] =	sst s1  }
0xa: {  	[smem:$0x3FAA] =	sst s2  }
0xb: {  	[smem:$0x3FAB] =	sst s3  }
0xc: {  	[smem:$0x3FAC] =	sst s4  }
0xd: {  	[smem:$0x3FAD] =	sst s5  }
0xe: {  	[smem:$0x3FAE] =	sst s6  }
0xf: {  	[smem:$0x3FAF] =	sst s7  }
0x10: {  	[smem:$0x3FB0] =	sst s8  }
0x11: {  	[smem:$0x3FB1] =	sst s9;
	s0 =	simm.s32 @!p0 $0x0  }
0x12: {  	s1 =	sld [smem:$0x3F97];
	s0 =	simm.s32 @p0 $0x1  }
0x13: {  	[smem:$0x3FB2] =	sst s0;
	s0 =	simm.s32 @!p1 $0x0  }
0x14: {  	s2 =	sld [smem:$0x3F96];
	s0 =	simm.s32 @p1 $0x1  }
0x15: {  	[smem:$0x3FB3] =	sst s0;
	s0 =	simm.s32 @!p2 $0x0  }
0x16: {  	s3 =	sld [smem:$0x3FDB];
	s0 =	simm.s32 @p2 $0x1  }
0x17: {  	s4 =	simm.s32 $0x1BF5;
	[smem:$0x3FB5] =	sst s0  }
0x18: {  	s0 =	sld [smem:$0x3F98];
	_ =	swait.ge [sflag:s4], $0x0  }
0x19: {  	s7 =	sld [smem:$0x3F99]  }
0x1a: {  	s8 =	sadd.s32 $0xFFFFE003, lr  }
0x1b: {  	s9 =	sadd.s32 $0xFFFFFEF7, lr;
	s5 =	simm.s32 $0xFFFFFFFF;
	p2 =	slt.u32 s8, $0xFFFFF086  }
0x1c: {  	p1 =	slt.u32 s9, $0xF7A;
	s5 =	simm.s32 @!p2 $0x0  }
0x1d: {  	s5 =	simm.s32 @p1 $0x1;
	p0 =	seq.s32 s7, s2  }
0x1e: {  	s7 =	smul.u32 @!p0 $0xF7A, s2;
	p2 =	seq.s32 @!p0 s5, $0x0  }
0x1f: {  	s9 =	smul.u32 $0xF7A, s1;
	s8 =	simm.s32 @!p0 $0x1BF5;
	p2 =	por !p2, p0  }
0x20: {  	[sflag:s8] =	ssyncset.s32 @!p0 $0xFFFFF086;
	s6 =	sadd.s32 @!p0 s3, s7;
	s7 =	simm.s32 @!p0 $0x108  }
0x21: {  	s3 =	sadd.s32 s3, s9;
	s6 =	sadd.s32 @!p0 $0x88, s6;
	s7 =	simm.s32 @p2 $0x1082  }
0x22: {  	[simem:s7], [sflag:s8] =	dma.local @!p0 [hbm:s6], $0xF7A  }
0x23: {  	s9 =	sor.u32 $0xD0000000, s2;
	s6 =	simm.s32 $0x108;
	_ =	swait.ge @!p0 [sflag:s8], $0x0  }
0x24: {  	s3 =	sadd.s32 $0x88, s3;
	s6 =	simm.s32 @!p1 $0x1082;
	[sflag:s4] =	ssyncset.s32 $0xFFFFF086  }
0x25: {  	[simem:s6], [sflag:s4] =	dma.local [hbm:s3], $0xF7A  }
0x26: {  	[smem:$0x3F99] =	sst s1;
	(tag) =	ssettag s2;
	_ =	strace s9  }
0x27: {  	s1 =	sld [smem:$0x3FA9]  }
0x28: {  	s2 =	sld [smem:$0x3FAA]  }
0x29: {  	s4 =	sld [smem:$0x3FAC]  }
0x2a: {  	p0 =	seq.s32 s5, $0x0;
	s5 =	sld [smem:$0x3FAD]  }
0x2b: {  	s6 =	sld [smem:$0x3FAE]  }
0x2c: {  	s7 =	sld [smem:$0x3FAF]  }
0x2d: {  	s3 =	simm.s32 $0x108;
	s8 =	sld [smem:$0x3FB0]  }
0x2e: {  	s3 =	simm.s32 @!p0 $0x1082;
	s9 =	sld [smem:$0x3FB1]  }
0x2f: {  	lr =	sadd.s32 s0, s3;
	s0 =	sld [smem:$0x3FA8]  }
0x30: {  	s3 =	sld [smem:$0x3FAB]  }
0x31: {  	[smem:$0x3FB4] =	sst s10  }
0x32: {  	s10 =	sld [smem:$0x3FB2];
	_ =	sdelay $0x3  }
0x33: {  	p0 =	seq.s32 s10, $0x1;
	s10 =	sld [smem:$0x3FB4];
	_ =	sdelay $0x3  }
0x34: {  	[smem:$0x3FB4] =	sst s10  }
0x35: {  	s10 =	sld [smem:$0x3FB3];
	_ =	sdelay $0x3  }
0x36: {  	p1 =	seq.s32 s10, $0x1;
	s10 =	sld [smem:$0x3FB4];
	_ =	sdelay $0x3  }
0x37: {  	[smem:$0x3FB4] =	sst s10  }
0x38: {  	s10 =	sld [smem:$0x3FB5]  }
0x39: {  	_ = 	snop;
	(pc) =	sbr.ind lr, $3  }
0x3a: {  	_ = 	snop  }
0x3b: {  	_ = 	snop  }
0x3c: {  	p2 =	seq.s32 s10, $0x1;
	s10 =	sld [smem:$0x3FB4]  }
0x3d: {  	_ =	shalt  }
0x3e: {  	_ =	shalt  }
0x3f: {  	_ =	shalt  }
0x40: {  	_ =	shalt  }
0x41: {  	_ =	shalt  }
0x42: {  	_ =	shalt  }
0x43: {  	_ =	shalt  }
0x44: {  	_ =	shalt  }
0x45: {  	_ =	shalt  }
0x46: {  	_ =	shalt  }
0x47: {  	_ =	shalt  }
0x48: {  	_ =	shalt  }
0x49: {  	_ =	shalt  }
0x4a: {  	_ =	shalt  }
0x4b: {  	_ =	shalt  }
0x4c: {  	_ =	shalt  }
0x4d: {  	_ =	shalt  }
0x4e: {  	_ =	shalt  }
0x4f: {  	_ =	shalt  }
0x50: {  	_ =	shalt  }
0x51: {  	_ =	shalt  }
0x52: {  	_ =	shalt  }
0x53: {  	_ =	shalt  }
0x54: {  	_ =	shalt  }
0x55: {  	_ =	shalt  }
0x56: {  	_ =	shalt  }
0x57: {  	_ =	shalt  }
0x58: {  	_ =	shalt  }
0x59: {  	_ =	shalt  }
0x5a: {  	_ =	shalt  }
0x5b: {  	_ =	shalt  }
0x5c: {  	_ =	shalt  }
0x5d: {  	_ =	shalt  }
0x5e: {  	_ =	shalt  }
0x5f: {  	_ =	shalt  }
0x60: {  	_ =	shalt  }
0x61: {  	_ =	shalt  }
0x62: {  	_ =	shalt  }
0x63: {  	_ =	shalt  }
0x64: {  	_ =	shalt  }
0x65: {  	_ =	shalt  }
0x66: {  	_ =	shalt  }
0x67: {  	_ =	shalt  }
0x68: {  	_ =	shalt  }
0x69: {  	_ =	shalt  }
0x6a: {  	_ =	shalt  }
0x6b: {  	_ =	shalt  }
0x6c: {  	_ =	shalt  }
0x6d: {  	_ =	shalt  }
0x6e: {  	_ =	shalt  }
0x6f: {  	_ =	shalt  }
0x70: {  	_ =	shalt  }
0x71: {  	_ =	shalt  }
0x72: {  	_ =	shalt  }
0x73: {  	_ =	shalt  }
0x74: {  	_ =	shalt  }
0x75: {  	_ =	shalt  }
0x76: {  	_ =	shalt  }
0x77: {  	_ =	shalt  }
0x78: {  	_ =	shalt  }
0x79: {  	_ =	shalt  }
0x7a: {  	_ =	shalt  }
0x7b: {  	_ =	shalt  }
0x7c: {  	_ =	shalt  }
0x7d: {  	_ =	shalt  }
0x7e: {  	_ =	shalt  }
0x7f: {  	_ =	shalt  }
0x80: {  	_ =	shalt  }
0x81: {  	_ =	shalt  }
0x82: {  	_ =	shalt  }
0x83: {  	_ =	shalt  }
0x84: {  	_ =	shalt  }
0x85: {  	_ =	shalt  }
0x86: {  	_ =	shalt  }
0x87: {  	_ =	shalt  }
.Lfunc_end0:
.L_simem_size_0:
called_computation.1_lowered:
.L_overlay_start_0:
0x88: {  	s2 =	sld [smem:$0x3FD9]  }
0x89: {  	s3 =	sld [smem:$0x3FFE];
	_ =	sdelay $0x1  }
0x8a: {  	s1 =	srdreg.scid  }
0x8b: {  	s0 =	sand.u32 $0x1, s1  }
0x8c: {  	s17 =	sshll.u32 s0, $0xA;
	s2 =	sadd.s32 s3, s2  }
0x8d: {  	s2 =	sadd.s32 s2, s17  }
0x8e: {  	[smem:$0x3FC0] =	sst s2  }
0x8f: {  	_ = 	snop  }
0x90: {  	s2 =	sld [smem:$0x3FD0];
	(tm) =	ssettm $0x1  }
0x91: {  	s18 =	sld [smem:$0x3FFB];
	_ =	sdelay $0x3  }
0x92: {  	_ =	strace s18  }
0x93: {  	s3 =	sld [smem:$0x3FFC];
	_ =	sdelay $0x3  }
0x94: {  	_ =	strace s3  }
0x95: {  	s3 =	sld [smem:$0x3FFD];
	_ =	sdelay $0x3  }
0x96: {  	_ =	strace s3  }
0x97: {  	_ =	strace $0x8FFFFFFF  }
0x98: {  	s19 =	sld [smem:$0x3FDB];
	_ =	sdelay $0x1  }
0x99: {  	s4 =	simm.s32 $_scs_section_size  }
0x9a: {  	s5 =	simm.s32 $_size__tile_overlayer_lowered;
	s6 =	simm.s32 $_tile_overlayer_lowered  }
0x9b: {  	s22 =	simm.s32 $0x1BFF;
	s21 =	sshll.u32 s6, $0x1;
	s3 =	sadd.s32 s4, s19  }
0x9c: {  	s7 =	simm.s32 $0x0;
	s20 =	sshll.u32 s5, $0x1;
	s5 =	sadd.s32 s21, s3  }
0x9d: {  	[timem:s7], [sflag:s22] =	dma.local [hbm:s5], s20  }
0x9e: {  	_ =	swait.ge [sflag:s22], s20  }
0x9f: {  	s4 =	ssub.s32 $0x0, s20;
	[sflag:s22] =	ssyncset.done $0x0  }
0xa0: {  	[sflag:s22] =	ssyncadd.s32 s4;
	_ =	sdelay $0x1  }
0xa1: {  	s23 =	simm.s32 $0x1B8B  }
0xa2: {  	_ =	swait.ge [sflag:s23], $0x1  }
0xa3: {  	[sflag:s23] =	ssyncset.done $0x0  }
0xa4: {  	s25 =	simm.s32 $0x1B8E;
	s24 =	sld [smem:$0x3FFE];
	[sflag:s23] =	ssyncadd.s32 $0xFFFFFFFF  }
0xa5: {  	s26 =	simm.s32 $execute0_lowered;
	[smem:$0x3FD2] =	sst s25  }
0xa6: {  	s5 =	sshll.u32 s26, $0x1;
	_ =	strace $0x80000049;
	[dreg:$0x1] =	wrdreg $0xFFFFFFFF  }
0xa7: {  	s28 =	simm.s32 $_size_execute0_lowered;
	s3 =	sadd.s32 s3, s5;
	[dreg:$0x0] =	wrdreg $0x0  }
0xa8: {  	s5 =	sshll.u32 s28, $0x1;
	[dreg:$0x2] =	wrdreg s3  }
0xa9: {  	[dreg:$0x3] =	wrdreg s5  }
0xaa: {  	[dreg:$0x4] =	wrdreg $0xC0  }
0xab: {  	_ =	task [dreg:s7], $0x5FFFF  }
0xac: {  	[dreg:$0x1] =	wrdreg $0xFFFFFFFF  }
0xad: {  	[dreg:$0x0] =	wrdreg $0x60  }
0xae: {  	[dreg:$0x2] =	wrdreg s24  }
0xaf: {  	[dreg:$0x3] =	wrdreg s2  }
0xb0: {  	[dreg:$0x4] =	wrdreg $0x9C000  }
0xb1: {  	[dreg:$0x5] =	wrdreg $0x9  }
0xb2: {  	_ =	task.clear_ibuf [dreg:s7], $0x6FFFF;
	_ =	strace $0x90000049  }
0xb3: {  	s29 =	simm.s32 $0x9;
	_ =	strace $0x8000004B  }
0xb4: {  	_ =	swait.ge [sflag:s29], $0x1  }
0xb5: {  	[sflag:s29] =	ssyncadd.s32 $0xFFFFFFFF  }
0xb6: {  	_ =	strace $0x9000004B  }
0xb7: {  	_ =	sfence  }
0xb8: {  	s30 =	sld [smem:$0x0];
	_ =	sdelay $0x2  }
0xb9: {  	s31 =	sshll.u32 s1, $0xD;
	s1 =	sshrl.u32 s1, $0x2  }
0xba: {  	s3 =	sand.u32 $0x4000, s31;
	s1 =	sadd.s32 s1, s30  }
0xbb: {  	s0 =	sor.u32 s3, s0;
	s1 =	sshll.u32 s1, $0x11  }
0xbc: {  	s0 =	sor.u32 s1, s0  }
0xbd: {  	s0 =	sadd.s32 $0x8F2B, s0  }
0xbe: {  	[sflag:s0] =	ssyncadd.remote.s32 $0x1  }
0xbf: {  	_ =	sfence.sel $0xFFFF  }
0xc0: {  	[dreg:$0x0] =	wrdreg $0xFFFFFFFF;
	(pc) =	sbr.abs _section_cstart, $3  }
0xc1: {  	[dreg:$0x1] =	wrdreg $0xFFFFFFFF  }
0xc2: {  	_ =	task.clear_ibuf [dreg:s7], $0x2FFFF;
	_ =	strace $0x9FFFFFFF  }
0xc3: {  	(tm) =	ssettm $0x7FFFFFFF  }
tec
execute0_lowered:
.L_overlay_start_1:
0x0: {  	(tag) =	ssettag $0x1  }
0x1: {  	s5 =	rddreg [dreg:$0x0]  }
0x2: {  	s10 =	rddreg [dreg:$0x1]  }
0x3: {  	s2 =	rddreg [dreg:$0x2]  }
0x4: {  	s0 =	rddreg [dreg:$0x3]  }
0x5: {  	s1 =	stileid.u32;
	s4 =	srdreg.scid  }
0x6: {  	s3 =	simm.s32 $0x0;
	s15 =	simm.s32 $0x5C00;
	s6 =	smul.u32 $0x41, s1  }
0x7: {  	s16 =	simm.s32 $0x1;
	s7 =	sand.u32 $0x1, s4;
	s4 =	smul.u32 $0x5C, s1  }
0x8: {  	s17 =	simm.s32 $0x0;
	[smem:$0x7FF] =	sst s3;
	s9 =	smul.u32 $0x14000, s1  }
0x9: {  	s13 =	smul.u32 $0x2800, s1;
	s30 =	sshll.u32 s1, $0x6;
	p0 =	seq.s32 s7, $0x0  }
0xa: {  	_ =	strace $0x8000004A;
	s8 =	ssub.s32 $0x2, s7;
	s31 =	smul.u32 $0x28000, s7  }
0xb: {  	s7 =	simm.s32 $0x5C;
	s6 =	sadd.s32 $0x5C0, s6;
	s28 =	sshrl.u32 s8, $0x1  }
0xc: {  	s14 =	sadd.s32 s9, s2;
	s29 =	sshrl.u32 s9, $0x3;
	s7 =	simm.s32 @!p0 $0x41  }
0xd: {  	s6 =	smov.u32 @p0 s4;
	s4 =	sadd.s32 $0x15C00, s5;
	s13 =	sadd.s32 s13, s31  }
0xe: {  	s12 =	ssub.s32 s8, s28;
	s6 =	sshll.u32 s6, $0x4;
	s10 =	sadd.s32 s10, s13  }
0xf: {  	s13 =	simm.s32 $0x2;
	s11 =	sadd.s32 s6, s5;
	s5 =	sadd.s32 s4, s29  }
0x10: {  	s6 =	sor.u32 $0x1C02, s30;
	s8 =	sadd.s32 $0xBC00, s11;
	s9 =	sadd.s32 $0x1C00, s11  }
0x11: {  	s11 =	smax.u32 s12, $0x1;
	s12 =	sshrl.u32 s14, $0x3;
	s14 =	simm.s32 $0x80  }
.LBB2_1:
0x12: {  	[spmem:s12], [sflag:s6] =	dma.local [hbm:s5], $0x2800  }
0x13: {  	_ =	swait.ge [sflag:s13], $0x2800  }
0x14: {  	[sflag:s13] =	ssyncset.done $0x0  }
0x15: {  	[sflag:s13] =	ssyncadd.s32 $0xFFFFD800  }
0x16: {  	[tilespmem:s3], [sflag:$0x2] =	stream.linear.gather [hbm4b:s8+s3], $0x2E00, $0x38;
	[tilespmem:$0x1DC00] =	vst v63  }
0x17: {  	_ =	swait.ge [sflag:s13], $0x2E00  }
0x18: {  	[sflag:s13] =	ssyncset.done $0x0  }
0x19: {  	s18 =	simm.s32 $0x2E00;
	[sflag:s13] =	ssyncadd.s32 $0xFFFFD200  }
0x1a: {  	[tilespmem:s18], [sflag:$0x2] =	stream.linear.gather [hbm4b:s9+s3], $0x2E00, $0x38;
	[tilespmem:$0x1DC00] =	vst v63  }
0x1b: {  	_ =	swait.ge [sflag:s13], $0x2E00  }
0x1c: {  	[sflag:s13] =	ssyncset.done $0x0  }
0x1d: {  	[sflag:s13] =	ssyncadd.s32 $0xFFFFD200  }
0x1e: {  	[bflag:$0x0] =	sbarrier.arrive $0xFFFF  }
0x1f: {  	[tilespmem:s15], [sflag:$0x1] =	stream.indirect.gather [hbm4b:s4+s14], $0x80, s3, s14, $0xb8;
	[tilespmem:$0x1DC00] =	vst v63  }
0x20: {  	p0 =	sne.s32 s7, $0x1;
	_ =	swait.ge [sflag:s16], $0x4000  }
.Ltmp0:
0x21: {  	[sflag:s16] =	ssyncset.done $0x0;
	(pc) =	sbr.rel @!p0 .LBB2_3-.Ltmp0, $4  }
0x22: {  	[sflag:s16] =	ssyncadd.s32 $0xFFFFC000  }
0x23: {  	[spmem:s2] =	stream.indirect.scatter.add.f32 [tilespmem:s15], [sflag:$0x2], $0x80, s18, s14, $0xb8;
	[tilespmem:$0x1DC00] =	vst v63  }
0x24: {  	_ =	swait.ge [sflag:s13], $0x4000  }
0x25: {  	s19 =	sadd.s32 $0xFFFFFFFF, s7;
	s20 =	simm.s32 $0x0;
	[sflag:s13] =	ssyncset.done $0x0  }
.LBB2_2:
0x26: {  	[sflag:s13] =	ssyncadd.s32 $0xFFFFC000;
	s20 =	sadd.s32 $0x80, s20;
	s18 =	sadd.s32 $0x80, s18  }
0x27: {  	[tilespmem:s15], [sflag:$0x1] =	stream.indirect.gather [hbm4b:s4+s14], $0x80, s20, s14, $0xb8;
	[tilespmem:$0x1DC00] =	vst v63  }
0x28: {  	p0 =	sne.s32 s19, $0x1;
	s19 =	sadd.s32 $0xFFFFFFFF, s19;
	_ =	swait.ge [sflag:s16], $0x4000  }
.Ltmp1:
0x29: {  	[sflag:s16] =	ssyncset.done $0x0;
	(pc) =	sbr.rel @p0 .LBB2_2-.Ltmp1, $4  }
0x2a: {  	[sflag:s16] =	ssyncadd.s32 $0xFFFFC000  }
0x2b: {  	[spmem:s2] =	stream.indirect.scatter.add.f32 [tilespmem:s15], [sflag:$0x2], $0x80, s18, s14, $0xb8;
	[tilespmem:$0x1DC00] =	vst v63  }
0x2c: {  	_ =	swait.ge [sflag:s13], $0x4000  }
0x2d: {  	[sflag:s13] =	ssyncset.done $0x0  }
.LBB2_3:
0x2e: {  	s17 =	sadd.s32 $0x1, s17  }
0x2f: {  	[sflag:s13] =	ssyncadd.s32 $0xFFFFC000;
	p0 =	sne.s32 s17, s11  }
.Ltmp2:
0x30: {  	[bflag:$0x0] =	sbarrier.arrive $0xFFFF;
	(pc) =	sbr.rel @p0 .LBB2_1-.Ltmp2, $4  }
0x31: {  	[hbm:s10], [sflag:s6] =	dma.local [spmem:s12], $0x2800  }
0x32: {  	_ =	swait.ge [sflag:s13], $0x2800  }
0x33: {  	[sflag:s13] =	ssyncset.done $0x0  }
0x34: {  	[sflag:s13] =	ssyncadd.s32 $0xFFFFD800  }
0x35: {  	_ =	sfence.sel $0x180000  }
0x36: {  	[bflag:$0x0] =	sbarrier.arrive $0xFFFF  }
0x37: {  	p0 =	sne.s32 s1, $0x0;
	_ =	strace $0x9000004A  }
0x38: {  	s0 =	sadd.s32 @!p0 $0x100000, s0;
	[bflag:$0x2] =	sbarrier.arrive $0xFFFF  }
0x39: {  	[sflag:s0] =	ssyncadd.tile.s32 @!p0 $0x1;
	_ =	shalt  }
.Lfunc_end2:
_tile_overlayer_lowered:
.L_overlay_start_2:
0x3a: {  	(tag) =	ssettag $0x2  }
0x3b: {  	s0 =	rddreg [dreg:$0x0];
	s2 =	stileid.u32  }
0x3c: {  	s1 =	rddreg [dreg:$0x1];
	p0 =	sne.s32 s2, $0x0  }
0x3d: {  	s3 =	rddreg [dreg:$0x2];
	[bflag:$0x3] =	sbarrier.arrive $0xFFFF;
	s2 =	simm.s32 @!p0 $0x1C02  }
0x3e: {  	[timem:s3], [sflag:s2] =	dma.local @!p0 [hbm:s0], s1  }
0x3f: {  	s0 =	simm.s32 @!p0 $0x2  }
0x40: {  	_ =	swait.ge @!p0 [sflag:s0], s1  }
0x41: {  	s1 =	ssub.s32 @!p0 $0x0, s1;
	[sflag:s0] =	ssyncset.done @!p0 $0x0  }
0x42: {  	[sflag:s0] =	ssyncadd.s32 @!p0 s1  }
0x43: {  	[bflag:$0x3] =	sbarrier.arrive $0xFFFF  }
0x44: {  	_ =	shalt  }

// kernel: kernel.15.cloned.1.call-start
scs
__scs_entry_jumppad:
0x0: {  	(pc) =	sbr.rel $0x88, $3  }
0x1: {  	(tag) =	ssettag $0x0;
	lr =	simm.s32 $0x1  }
0x2: {  	[smem:$0x3F99] =	sst lr;
	_ =	strace $0xD0000000  }
0x3: {  	_ = 	snop  }
0x4: {  	_ = 	snop  }
0x5: {  	_ = 	snop  }
0x6: {  	_ = 	snop  }
0x7: {  	_ = 	snop  }
__scs_overlays_trampoline_lowered:
0x8: {  	[smem:$0x3FA8] =	sst s0  }
0x9: {  	[smem:$0x3FA9] =	sst s1  }
0xa: {  	[smem:$0x3FAA] =	sst s2  }
0xb: {  	[smem:$0x3FAB] =	sst s3  }
0xc: {  	[smem:$0x3FAC] =	sst s4  }
0xd: {  	[smem:$0x3FAD] =	sst s5  }
0xe: {  	[smem:$0x3FAE] =	sst s6  }
0xf: {  	[smem:$0x3FAF] =	sst s7  }
0x10: {  	[smem:$0x3FB0] =	sst s8  }
0x11: {  	[smem:$0x3FB1] =	sst s9;
	s0 =	simm.s32 @!p0 $0x0  }
0x12: {  	s1 =	sld [smem:$0x3F97];
	s0 =	simm.s32 @p0 $0x1  }
0x13: {  	[smem:$0x3FB2] =	sst s0;
	s0 =	simm.s32 @!p1 $0x0  }
0x14: {  	s2 =	sld [smem:$0x3F96];
	s0 =	simm.s32 @p1 $0x1  }
0x15: {  	[smem:$0x3FB3] =	sst s0;
	s0 =	simm.s32 @!p2 $0x0  }
0x16: {  	s3 =	sld [smem:$0x3FDB];
	s0 =	simm.s32 @p2 $0x1  }
0x17: {  	s4 =	simm.s32 $0x1BF5;
	[smem:$0x3FB5] =	sst s0  }
0x18: {  	s0 =	sld [smem:$0x3F98];
	_ =	swait.ge [sflag:s4], $0x0  }
0x19: {  	s7 =	sld [smem:$0x3F99]  }
0x1a: {  	s8 =	sadd.s32 $0xFFFFE003, lr  }
0x1b: {  	s9 =	sadd.s32 $0xFFFFFEF7, lr;
	s5 =	simm.s32 $0xFFFFFFFF;
	p2 =	slt.u32 s8, $0xFFFFF086  }
0x1c: {  	p1 =	slt.u32 s9, $0xF7A;
	s5 =	simm.s32 @!p2 $0x0  }
0x1d: {  	s5 =	simm.s32 @p1 $0x1;
	p0 =	seq.s32 s7, s2  }
0x1e: {  	s7 =	smul.u32 @!p0 $0xF7A, s2;
	p2 =	seq.s32 @!p0 s5, $0x0  }
0x1f: {  	s9 =	smul.u32 $0xF7A, s1;
	s8 =	simm.s32 @!p0 $0x1BF5;
	p2 =	por !p2, p0  }
0x20: {  	[sflag:s8] =	ssyncset.s32 @!p0 $0xFFFFF086;
	s6 =	sadd.s32 @!p0 s3, s7;
	s7 =	simm.s32 @!p0 $0x108  }
0x21: {  	s3 =	sadd.s32 s3, s9;
	s6 =	sadd.s32 @!p0 $0x88, s6;
	s7 =	simm.s32 @p2 $0x1082  }
0x22: {  	[simem:s7], [sflag:s8] =	dma.local @!p0 [hbm:s6], $0xF7A  }
0x23: {  	s9 =	sor.u32 $0xD0000000, s2;
	s6 =	simm.s32 $0x108;
	_ =	swait.ge @!p0 [sflag:s8], $0x0  }
0x24: {  	s3 =	sadd.s32 $0x88, s3;
	s6 =	simm.s32 @!p1 $0x1082;
	[sflag:s4] =	ssyncset.s32 $0xFFFFF086  }
0x25: {  	[simem:s6], [sflag:s4] =	dma.local [hbm:s3], $0xF7A  }
0x26: {  	[smem:$0x3F99] =	sst s1;
	(tag) =	ssettag s2;
	_ =	strace s9  }
0x27: {  	s1 =	sld [smem:$0x3FA9]  }
0x28: {  	s2 =	sld [smem:$0x3FAA]  }
0x29: {  	s4 =	sld [smem:$0x3FAC]  }
0x2a: {  	p0 =	seq.s32 s5, $0x0;
	s5 =	sld [smem:$0x3FAD]  }
0x2b: {  	s6 =	sld [smem:$0x3FAE]  }
0x2c: {  	s7 =	sld [smem:$0x3FAF]  }
0x2d: {  	s3 =	simm.s32 $0x108;
	s8 =	sld [smem:$0x3FB0]  }
0x2e: {  	s3 =	simm.s32 @!p0 $0x1082;
	s9 =	sld [smem:$0x3FB1]  }
0x2f: {  	lr =	sadd.s32 s0, s3;
	s0 =	sld [smem:$0x3FA8]  }
0x30: {  	s3 =	sld [smem:$0x3FAB]  }
0x31: {  	[smem:$0x3FB4] =	sst s10  }
0x32: {  	s10 =	sld [smem:$0x3FB2];
	_ =	sdelay $0x3  }
0x33: {  	p0 =	seq.s32 s10, $0x1;
	s10 =	sld [smem:$0x3FB4];
	_ =	sdelay $0x3  }
0x34: {  	[smem:$0x3FB4] =	sst s10  }
0x35: {  	s10 =	sld [smem:$0x3FB3];
	_ =	sdelay $0x3  }
0x36: {  	p1 =	seq.s32 s10, $0x1;
	s10 =	sld [smem:$0x3FB4];
	_ =	sdelay $0x3  }
0x37: {  	[smem:$0x3FB4] =	sst s10  }
0x38: {  	s10 =	sld [smem:$0x3FB5]  }
0x39: {  	_ = 	snop;
	(pc) =	sbr.ind lr, $3  }
0x3a: {  	_ = 	snop  }
0x3b: {  	_ = 	snop  }
0x3c: {  	p2 =	seq.s32 s10, $0x1;
	s10 =	sld [smem:$0x3FB4]  }
0x3d: {  	_ =	shalt  }
0x3e: {  	_ =	shalt  }
0x3f: {  	_ =	shalt  }
0x40: {  	_ =	shalt  }
0x41: {  	_ =	shalt  }
0x42: {  	_ =	shalt  }
0x43: {  	_ =	shalt  }
0x44: {  	_ =	shalt  }
0x45: {  	_ =	shalt  }
0x46: {  	_ =	shalt  }
0x47: {  	_ =	shalt  }
0x48: {  	_ =	shalt  }
0x49: {  	_ =	shalt  }
0x4a: {  	_ =	shalt  }
0x4b: {  	_ =	shalt  }
0x4c: {  	_ =	shalt  }
0x4d: {  	_ =	shalt  }
0x4e: {  	_ =	shalt  }
0x4f: {  	_ =	shalt  }
0x50: {  	_ =	shalt  }
0x51: {  	_ =	shalt  }
0x52: {  	_ =	shalt  }
0x53: {  	_ =	shalt  }
0x54: {  	_ =	shalt  }
0x55: {  	_ =	shalt  }
0x56: {  	_ =	shalt  }
0x57: {  	_ =	shalt  }
0x58: {  	_ =	shalt  }
0x59: {  	_ =	shalt  }
0x5a: {  	_ =	shalt  }
0x5b: {  	_ =	shalt  }
0x5c: {  	_ =	shalt  }
0x5d: {  	_ =	shalt  }
0x5e: {  	_ =	shalt  }
0x5f: {  	_ =	shalt  }
0x60: {  	_ =	shalt  }
0x61: {  	_ =	shalt  }
0x62: {  	_ =	shalt  }
0x63: {  	_ =	shalt  }
0x64: {  	_ =	shalt  }
0x65: {  	_ =	shalt  }
0x66: {  	_ =	shalt  }
0x67: {  	_ =	shalt  }
0x68: {  	_ =	shalt  }
0x69: {  	_ =	shalt  }
0x6a: {  	_ =	shalt  }
0x6b: {  	_ =	shalt  }
0x6c: {  	_ =	shalt  }
0x6d: {  	_ =	shalt  }
0x6e: {  	_ =	shalt  }
0x6f: {  	_ =	shalt  }
0x70: {  	_ =	shalt  }
0x71: {  	_ =	shalt  }
0x72: {  	_ =	shalt  }
0x73: {  	_ =	shalt  }
0x74: {  	_ =	shalt  }
0x75: {  	_ =	shalt  }
0x76: {  	_ =	shalt  }
0x77: {  	_ =	shalt  }
0x78: {  	_ =	shalt  }
0x79: {  	_ =	shalt  }
0x7a: {  	_ =	shalt  }
0x7b: {  	_ =	shalt  }
0x7c: {  	_ =	shalt  }
0x7d: {  	_ =	shalt  }
0x7e: {  	_ =	shalt  }
0x7f: {  	_ =	shalt  }
0x80: {  	_ =	shalt  }
0x81: {  	_ =	shalt  }
0x82: {  	_ =	shalt  }
0x83: {  	_ =	shalt  }
0x84: {  	_ =	shalt  }
0x85: {  	_ =	shalt  }
0x86: {  	_ =	shalt  }
0x87: {  	_ =	shalt  }
.Lfunc_end0:
.L_simem_size_0:
called_computation.2_lowered:
.L_overlay_start_0:
0x88: {  	s2 =	sld [smem:$0x3FD9]  }
0x89: {  	s3 =	sld [smem:$0x3FFE];
	_ =	sdelay $0x1  }
0x8a: {  	s1 =	srdreg.scid  }
0x8b: {  	s0 =	sand.u32 $0x1, s1  }
0x8c: {  	s17 =	sshll.u32 s0, $0xA;
	s2 =	sadd.s32 s3, s2  }
0x8d: {  	s2 =	sadd.s32 s2, s17  }
0x8e: {  	[smem:$0x3FC0] =	sst s2  }
0x8f: {  	_ = 	snop  }
0x90: {  	s2 =	sld [smem:$0x3FD0];
	(tm) =	ssettm $0x1  }
0x91: {  	s18 =	sld [smem:$0x3FFB];
	_ =	sdelay $0x3  }
0x92: {  	_ =	strace s18  }
0x93: {  	s3 =	sld [smem:$0x3FFC];
	_ =	sdelay $0x3  }
0x94: {  	_ =	strace s3  }
0x95: {  	s3 =	sld [smem:$0x3FFD];
	_ =	sdelay $0x3  }
0x96: {  	_ =	strace s3  }
0x97: {  	_ =	strace $0x8FFFFFFF  }
0x98: {  	s19 =	sld [smem:$0x3FDB];
	_ =	sdelay $0x1  }
0x99: {  	s4 =	simm.s32 $_scs_section_size  }
0x9a: {  	s5 =	simm.s32 $_size__tile_overlayer_lowered;
	s6 =	simm.s32 $_tile_overlayer_lowered  }
0x9b: {  	s22 =	simm.s32 $0x1BFF;
	s21 =	sshll.u32 s6, $0x1;
	s3 =	sadd.s32 s4, s19  }
0x9c: {  	s7 =	simm.s32 $0x0;
	s20 =	sshll.u32 s5, $0x1;
	s5 =	sadd.s32 s21, s3  }
0x9d: {  	[timem:s7], [sflag:s22] =	dma.local [hbm:s5], s20  }
0x9e: {  	_ =	swait.ge [sflag:s22], s20  }
0x9f: {  	s4 =	ssub.s32 $0x0, s20;
	[sflag:s22] =	ssyncset.done $0x0  }
0xa0: {  	[sflag:s22] =	ssyncadd.s32 s4;
	_ =	sdelay $0x1  }
0xa1: {  	s23 =	simm.s32 $0x1B8B  }
0xa2: {  	_ =	swait.ge [sflag:s23], $0x1  }
0xa3: {  	[sflag:s23] =	ssyncset.done $0x0  }
0xa4: {  	s25 =	simm.s32 $0x1B8E;
	s24 =	sld [smem:$0x3FFE];
	[sflag:s23] =	ssyncadd.s32 $0xFFFFFFFF  }
0xa5: {  	s26 =	simm.s32 $execute0_lowered;
	[smem:$0x3FD2] =	sst s25  }
0xa6: {  	s5 =	sshll.u32 s26, $0x1;
	_ =	strace $0x8000004C;
	[dreg:$0x1] =	wrdreg $0xFFFFFFFF  }
0xa7: {  	s28 =	simm.s32 $_size_execute0_lowered;
	s3 =	sadd.s32 s3, s5;
	[dreg:$0x0] =	wrdreg $0x0  }
0xa8: {  	s5 =	sshll.u32 s28, $0x1;
	[dreg:$0x2] =	wrdreg s3  }
0xa9: {  	[dreg:$0x3] =	wrdreg s5  }
0xaa: {  	[dreg:$0x4] =	wrdreg $0xC0  }
0xab: {  	_ =	task [dreg:s7], $0x5FFFF  }
0xac: {  	[dreg:$0x1] =	wrdreg $0xFFFFFFFF  }
0xad: {  	[dreg:$0x0] =	wrdreg $0x60  }
0xae: {  	[dreg:$0x2] =	wrdreg s24  }
0xaf: {  	[dreg:$0x3] =	wrdreg s2  }
0xb0: {  	[dreg:$0x4] =	wrdreg $0x9C000  }
0xb1: {  	[dreg:$0x5] =	wrdreg $0x9  }
0xb2: {  	_ =	task.clear_ibuf [dreg:s7], $0x6FFFF;
	_ =	strace $0x9000004C  }
0xb3: {  	s29 =	simm.s32 $0x9;
	_ =	strace $0x8000004E  }
0xb4: {  	_ =	swait.ge [sflag:s29], $0x1  }
0xb5: {  	[sflag:s29] =	ssyncadd.s32 $0xFFFFFFFF  }
0xb6: {  	_ =	strace $0x9000004E  }
0xb7: {  	_ =	sfence  }
0xb8: {  	s30 =	sld [smem:$0x0];
	_ =	sdelay $0x2  }
0xb9: {  	s31 =	sshll.u32 s1, $0xD;
	s1 =	sshrl.u32 s1, $0x2  }
0xba: {  	s3 =	sand.u32 $0x4000, s31;
	s1 =	sadd.s32 s1, s30  }
0xbb: {  	s0 =	sor.u32 s3, s0;
	s1 =	sshll.u32 s1, $0x11  }
0xbc: {  	s0 =	sor.u32 s1, s0  }
0xbd: {  	s0 =	sadd.s32 $0x8F2B, s0  }
0xbe: {  	[sflag:s0] =	ssyncadd.remote.s32 $0x1  }
0xbf: {  	_ =	sfence.sel $0xFFFF  }
0xc0: {  	[dreg:$0x0] =	wrdreg $0xFFFFFFFF;
	(pc) =	sbr.abs _section_cstart, $3  }
0xc1: {  	[dreg:$0x1] =	wrdreg $0xFFFFFFFF  }
0xc2: {  	_ =	task.clear_ibuf [dreg:s7], $0x2FFFF;
	_ =	strace $0x9FFFFFFF  }
0xc3: {  	(tm) =	ssettm $0x7FFFFFFF  }
tec
execute0_lowered:
.L_overlay_start_1:
0x0: {  	(tag) =	ssettag $0x1  }
0x1: {  	s5 =	rddreg [dreg:$0x0]  }
0x2: {  	s10 =	rddreg [dreg:$0x1]  }
0x3: {  	s2 =	rddreg [dreg:$0x2]  }
0x4: {  	s0 =	rddreg [dreg:$0x3]  }
0x5: {  	s1 =	stileid.u32;
	s4 =	srdreg.scid  }
0x6: {  	s3 =	simm.s32 $0x0;
	s15 =	simm.s32 $0x5C00;
	s6 =	smul.u32 $0x41, s1  }
0x7: {  	s16 =	simm.s32 $0x1;
	s7 =	sand.u32 $0x1, s4;
	s4 =	smul.u32 $0x5C, s1  }
0x8: {  	s17 =	simm.s32 $0x0;
	[smem:$0x7FF] =	sst s3;
	s9 =	smul.u32 $0x14000, s1  }
0x9: {  	s13 =	smul.u32 $0x2800, s1;
	s30 =	sshll.u32 s1, $0x6;
	p0 =	seq.s32 s7, $0x0  }
0xa: {  	_ =	strace $0x8000004D;
	s8 =	ssub.s32 $0x2, s7;
	s31 =	smul.u32 $0x28000, s7  }
0xb: {  	s7 =	simm.s32 $0x5C;
	s6 =	sadd.s32 $0x5C0, s6;
	s28 =	sshrl.u32 s8, $0x1  }
0xc: {  	s14 =	sadd.s32 s9, s2;
	s29 =	sshrl.u32 s9, $0x3;
	s7 =	simm.s32 @!p0 $0x41  }
0xd: {  	s6 =	smov.u32 @p0 s4;
	s4 =	sadd.s32 $0x15C00, s5;
	s13 =	sadd.s32 s13, s31  }
0xe: {  	s12 =	ssub.s32 s8, s28;
	s6 =	sshll.u32 s6, $0x4;
	s10 =	sadd.s32 s10, s13  }
0xf: {  	s13 =	simm.s32 $0x2;
	s11 =	sadd.s32 s6, s5;
	s5 =	sadd.s32 s4, s29  }
0x10: {  	s6 =	sor.u32 $0x1C02, s30;
	s8 =	sadd.s32 $0xBC00, s11;
	s9 =	sadd.s32 $0x1C00, s11  }
0x11: {  	s11 =	smax.u32 s12, $0x1;
	s12 =	sshrl.u32 s14, $0x3;
	s14 =	simm.s32 $0x80  }
.LBB2_1:
0x12: {  	[spmem:s12], [sflag:s6] =	dma.local [hbm:s5], $0x2800  }
0x13: {  	_ =	swait.ge [sflag:s13], $0x2800  }
0x14: {  	[sflag:s13] =	ssyncset.done $0x0  }
0x15: {  	[sflag:s13] =	ssyncadd.s32 $0xFFFFD800  }
0x16: {  	[tilespmem:s3], [sflag:$0x2] =	stream.linear.gather [hbm4b:s8+s3], $0x2E00, $0x38;
	[tilespmem:$0x1DC00] =	vst v63  }
0x17: {  	_ =	swait.ge [sflag:s13], $0x2E00  }
0x18: {  	[sflag:s13] =	ssyncset.done $0x0  }
0x19: {  	s18 =	simm.s32 $0x2E00;
	[sflag:s13] =	ssyncadd.s32 $0xFFFFD200  }
0x1a: {  	[tilespmem:s18], [sflag:$0x2] =	stream.linear.gather [hbm4b:s9+s3], $0x2E00, $0x38;
	[tilespmem:$0x1DC00] =	vst v63  }
0x1b: {  	_ =	swait.ge [sflag:s13], $0x2E00  }
0x1c: {  	[sflag:s13] =	ssyncset.done $0x0  }
0x1d: {  	[sflag:s13] =	ssyncadd.s32 $0xFFFFD200  }
0x1e: {  	[bflag:$0x0] =	sbarrier.arrive $0xFFFF  }
0x1f: {  	[tilespmem:s15], [sflag:$0x1] =	stream.indirect.gather [hbm4b:s4+s14], $0x80, s3, s14, $0xb8;
	[tilespmem:$0x1DC00] =	vst v63  }
0x20: {  	p0 =	sne.s32 s7, $0x1;
	_ =	swait.ge [sflag:s16], $0x4000  }
.Ltmp0:
0x21: {  	[sflag:s16] =	ssyncset.done $0x0;
	(pc) =	sbr.rel @!p0 .LBB2_3-.Ltmp0, $4  }
0x22: {  	[sflag:s16] =	ssyncadd.s32 $0xFFFFC000  }
0x23: {  	[spmem:s2] =	stream.indirect.scatter.add.f32 [tilespmem:s15], [sflag:$0x2], $0x80, s18, s14, $0xb8;
	[tilespmem:$0x1DC00] =	vst v63  }
0x24: {  	_ =	swait.ge [sflag:s13], $0x4000  }
0x25: {  	s19 =	sadd.s32 $0xFFFFFFFF, s7;
	s20 =	simm.s32 $0x0;
	[sflag:s13] =	ssyncset.done $0x0  }
.LBB2_2:
0x26: {  	[sflag:s13] =	ssyncadd.s32 $0xFFFFC000;
	s20 =	sadd.s32 $0x80, s20;
	s18 =	sadd.s32 $0x80, s18  }
0x27: {  	[tilespmem:s15], [sflag:$0x1] =	stream.indirect.gather [hbm4b:s4+s14], $0x80, s20, s14, $0xb8;
	[tilespmem:$0x1DC00] =	vst v63  }
0x28: {  	p0 =	sne.s32 s19, $0x1;
	s19 =	sadd.s32 $0xFFFFFFFF, s19;
	_ =	swait.ge [sflag:s16], $0x4000  }
.Ltmp1:
0x29: {  	[sflag:s16] =	ssyncset.done $0x0;
	(pc) =	sbr.rel @p0 .LBB2_2-.Ltmp1, $4  }
0x2a: {  	[sflag:s16] =	ssyncadd.s32 $0xFFFFC000  }
0x2b: {  	[spmem:s2] =	stream.indirect.scatter.add.f32 [tilespmem:s15], [sflag:$0x2], $0x80, s18, s14, $0xb8;
	[tilespmem:$0x1DC00] =	vst v63  }
0x2c: {  	_ =	swait.ge [sflag:s13], $0x4000  }
0x2d: {  	[sflag:s13] =	ssyncset.done $0x0  }
.LBB2_3:
0x2e: {  	s17 =	sadd.s32 $0x1, s17  }
0x2f: {  	[sflag:s13] =	ssyncadd.s32 $0xFFFFC000;
	p0 =	sne.s32 s17, s11  }
.Ltmp2:
0x30: {  	[bflag:$0x0] =	sbarrier.arrive $0xFFFF;
	(pc) =	sbr.rel @p0 .LBB2_1-.Ltmp2, $4  }
0x31: {  	[hbm:s10], [sflag:s6] =	dma.local [spmem:s12], $0x2800  }
0x32: {  	_ =	swait.ge [sflag:s13], $0x2800  }
0x33: {  	[sflag:s13] =	ssyncset.done $0x0  }
0x34: {  	[sflag:s13] =	ssyncadd.s32 $0xFFFFD800  }
0x35: {  	_ =	sfence.sel $0x180000  }
0x36: {  	[bflag:$0x0] =	sbarrier.arrive $0xFFFF  }
0x37: {  	p0 =	sne.s32 s1, $0x0;
	_ =	strace $0x9000004D  }
0x38: {  	s0 =	sadd.s32 @!p0 $0x100000, s0;
	[bflag:$0x2] =	sbarrier.arrive $0xFFFF  }
0x39: {  	[sflag:s0] =	ssyncadd.tile.s32 @!p0 $0x1;
	_ =	shalt  }
.Lfunc_end2:
_tile_overlayer_lowered:
.L_overlay_start_2:
0x3a: {  	(tag) =	ssettag $0x2  }
0x3b: {  	s0 =	rddreg [dreg:$0x0];
	s2 =	stileid.u32  }
0x3c: {  	s1 =	rddreg [dreg:$0x1];
	p0 =	sne.s32 s2, $0x0  }
0x3d: {  	s3 =	rddreg [dreg:$0x2];
	[bflag:$0x3] =	sbarrier.arrive $0xFFFF;
	s2 =	simm.s32 @!p0 $0x1C02  }
0x3e: {  	[timem:s3], [sflag:s2] =	dma.local @!p0 [hbm:s0], s1  }
0x3f: {  	s0 =	simm.s32 @!p0 $0x2  }
0x40: {  	_ =	swait.ge @!p0 [sflag:s0], s1  }
0x41: {  	s1 =	ssub.s32 @!p0 $0x0, s1;
	[sflag:s0] =	ssyncset.done @!p0 $0x0  }
0x42: {  	[sflag:s0] =	ssyncadd.s32 @!p0 s1  }
0x43: {  	[bflag:$0x3] =	sbarrier.arrive $0xFFFF  }
0x44: {  	_ =	shalt  }

// kernel: kernel.9.cloned.1.call-start
scs
__scs_entry_jumppad:
0x0: {  	(pc) =	sbr.rel $0x88, $3  }
0x1: {  	(tag) =	ssettag $0x0;
	lr =	simm.s32 $0x1  }
0x2: {  	[smem:$0x3F99] =	sst lr;
	_ =	strace $0xD0000000  }
0x3: {  	_ = 	snop  }
0x4: {  	_ = 	snop  }
0x5: {  	_ = 	snop  }
0x6: {  	_ = 	snop  }
0x7: {  	_ = 	snop  }
__scs_overlays_trampoline_lowered:
0x8: {  	[smem:$0x3FA8] =	sst s0  }
0x9: {  	[smem:$0x3FA9] =	sst s1  }
0xa: {  	[smem:$0x3FAA] =	sst s2  }
0xb: {  	[smem:$0x3FAB] =	sst s3  }
0xc: {  	[smem:$0x3FAC] =	sst s4  }
0xd: {  	[smem:$0x3FAD] =	sst s5  }
0xe: {  	[smem:$0x3FAE] =	sst s6  }
0xf: {  	[smem:$0x3FAF] =	sst s7  }
0x10: {  	[smem:$0x3FB0] =	sst s8  }
0x11: {  	[smem:$0x3FB1] =	sst s9;
	s0 =	simm.s32 @!p0 $0x0  }
0x12: {  	s1 =	sld [smem:$0x3F97];
	s0 =	simm.s32 @p0 $0x1  }
0x13: {  	[smem:$0x3FB2] =	sst s0;
	s0 =	simm.s32 @!p1 $0x0  }
0x14: {  	s2 =	sld [smem:$0x3F96];
	s0 =	simm.s32 @p1 $0x1  }
0x15: {  	[smem:$0x3FB3] =	sst s0;
	s0 =	simm.s32 @!p2 $0x0  }
0x16: {  	s3 =	sld [smem:$0x3FDB];
	s0 =	simm.s32 @p2 $0x1  }
0x17: {  	s4 =	simm.s32 $0x1BF5;
	[smem:$0x3FB5] =	sst s0  }
0x18: {  	s0 =	sld [smem:$0x3F98];
	_ =	swait.ge [sflag:s4], $0x0  }
0x19: {  	s7 =	sld [smem:$0x3F99]  }
0x1a: {  	s8 =	sadd.s32 $0xFFFFE003, lr  }
0x1b: {  	s9 =	sadd.s32 $0xFFFFFEF7, lr;
	s5 =	simm.s32 $0xFFFFFFFF;
	p2 =	slt.u32 s8, $0xFFFFF086  }
0x1c: {  	p1 =	slt.u32 s9, $0xF7A;
	s5 =	simm.s32 @!p2 $0x0  }
0x1d: {  	s5 =	simm.s32 @p1 $0x1;
	p0 =	seq.s32 s7, s2  }
0x1e: {  	s7 =	smul.u32 @!p0 $0xF7A, s2;
	p2 =	seq.s32 @!p0 s5, $0x0  }
0x1f: {  	s9 =	smul.u32 $0xF7A, s1;
	s8 =	simm.s32 @!p0 $0x1BF5;
	p2 =	por !p2, p0  }
0x20: {  	[sflag:s8] =	ssyncset.s32 @!p0 $0xFFFFF086;
	s6 =	sadd.s32 @!p0 s3, s7;
	s7 =	simm.s32 @!p0 $0x108  }
0x21: {  	s3 =	sadd.s32 s3, s9;
	s6 =	sadd.s32 @!p0 $0x88, s6;
	s7 =	simm.s32 @p2 $0x1082  }
0x22: {  	[simem:s7], [sflag:s8] =	dma.local @!p0 [hbm:s6], $0xF7A  }
0x23: {  	s9 =	sor.u32 $0xD0000000, s2;
	s6 =	simm.s32 $0x108;
	_ =	swait.ge @!p0 [sflag:s8], $0x0  }
0x24: {  	s3 =	sadd.s32 $0x88, s3;
	s6 =	simm.s32 @!p1 $0x1082;
	[sflag:s4] =	ssyncset.s32 $0xFFFFF086  }
0x25: {  	[simem:s6], [sflag:s4] =	dma.local [hbm:s3], $0xF7A  }
0x26: {  	[smem:$0x3F99] =	sst s1;
	(tag) =	ssettag s2;
	_ =	strace s9  }
0x27: {  	s1 =	sld [smem:$0x3FA9]  }
0x28: {  	s2 =	sld [smem:$0x3FAA]  }
0x29: {  	s4 =	sld [smem:$0x3FAC]  }
0x2a: {  	p0 =	seq.s32 s5, $0x0;
	s5 =	sld [smem:$0x3FAD]  }
0x2b: {  	s6 =	sld [smem:$0x3FAE]  }
0x2c: {  	s7 =	sld [smem:$0x3FAF]  }
0x2d: {  	s3 =	simm.s32 $0x108;
	s8 =	sld [smem:$0x3FB0]  }
0x2e: {  	s3 =	simm.s32 @!p0 $0x1082;
	s9 =	sld [smem:$0x3FB1]  }
0x2f: {  	lr =	sadd.s32 s0, s3;
	s0 =	sld [smem:$0x3FA8]  }
0x30: {  	s3 =	sld [smem:$0x3FAB]  }
0x31: {  	[smem:$0x3FB4] =	sst s10  }
0x32: {  	s10 =	sld [smem:$0x3FB2];
	_ =	sdelay $0x3  }
0x33: {  	p0 =	seq.s32 s10, $0x1;
	s10 =	sld [smem:$0x3FB4];
	_ =	sdelay $0x3  }
0x34: {  	[smem:$0x3FB4] =	sst s10  }
0x35: {  	s10 =	sld [smem:$0x3FB3];
	_ =	sdelay $0x3  }
0x36: {  	p1 =	seq.s32 s10, $0x1;
	s10 =	sld [smem:$0x3FB4];
	_ =	sdelay $0x3  }
0x37: {  	[smem:$0x3FB4] =	sst s10  }
0x38: {  	s10 =	sld [smem:$0x3FB5]  }
0x39: {  	_ = 	snop;
	(pc) =	sbr.ind lr, $3  }
0x3a: {  	_ = 	snop  }
0x3b: {  	_ = 	snop  }
0x3c: {  	p2 =	seq.s32 s10, $0x1;
	s10 =	sld [smem:$0x3FB4]  }
0x3d: {  	_ =	shalt  }
0x3e: {  	_ =	shalt  }
0x3f: {  	_ =	shalt  }
0x40: {  	_ =	shalt  }
0x41: {  	_ =	shalt  }
0x42: {  	_ =	shalt  }
0x43: {  	_ =	shalt  }
0x44: {  	_ =	shalt  }
0x45: {  	_ =	shalt  }
0x46: {  	_ =	shalt  }
0x47: {  	_ =	shalt  }
0x48: {  	_ =	shalt  }
0x49: {  	_ =	shalt  }
0x4a: {  	_ =	shalt  }
0x4b: {  	_ =	shalt  }
0x4c: {  	_ =	shalt  }
0x4d: {  	_ =	shalt  }
0x4e: {  	_ =	shalt  }
0x4f: {  	_ =	shalt  }
0x50: {  	_ =	shalt  }
0x51: {  	_ =	shalt  }
0x52: {  	_ =	shalt  }
0x53: {  	_ =	shalt  }
0x54: {  	_ =	shalt  }
0x55: {  	_ =	shalt  }
0x56: {  	_ =	shalt  }
0x57: {  	_ =	shalt  }
0x58: {  	_ =	shalt  }
0x59: {  	_ =	shalt  }
0x5a: {  	_ =	shalt  }
0x5b: {  	_ =	shalt  }
0x5c: {  	_ =	shalt  }
0x5d: {  	_ =	shalt  }
0x5e: {  	_ =	shalt  }
0x5f: {  	_ =	shalt  }
0x60: {  	_ =	shalt  }
0x61: {  	_ =	shalt  }
0x62: {  	_ =	shalt  }
0x63: {  	_ =	shalt  }
0x64: {  	_ =	shalt  }
0x65: {  	_ =	shalt  }
0x66: {  	_ =	shalt  }
0x67: {  	_ =	shalt  }
0x68: {  	_ =	shalt  }
0x69: {  	_ =	shalt  }
0x6a: {  	_ =	shalt  }
0x6b: {  	_ =	shalt  }
0x6c: {  	_ =	shalt  }
0x6d: {  	_ =	shalt  }
0x6e: {  	_ =	shalt  }
0x6f: {  	_ =	shalt  }
0x70: {  	_ =	shalt  }
0x71: {  	_ =	shalt  }
0x72: {  	_ =	shalt  }
0x73: {  	_ =	shalt  }
0x74: {  	_ =	shalt  }
0x75: {  	_ =	shalt  }
0x76: {  	_ =	shalt  }
0x77: {  	_ =	shalt  }
0x78: {  	_ =	shalt  }
0x79: {  	_ =	shalt  }
0x7a: {  	_ =	shalt  }
0x7b: {  	_ =	shalt  }
0x7c: {  	_ =	shalt  }
0x7d: {  	_ =	shalt  }
0x7e: {  	_ =	shalt  }
0x7f: {  	_ =	shalt  }
0x80: {  	_ =	shalt  }
0x81: {  	_ =	shalt  }
0x82: {  	_ =	shalt  }
0x83: {  	_ =	shalt  }
0x84: {  	_ =	shalt  }
0x85: {  	_ =	shalt  }
0x86: {  	_ =	shalt  }
0x87: {  	_ =	shalt  }
.Lfunc_end0:
.L_simem_size_0:
called_computation_lowered:
.L_overlay_start_0:
0x88: {  	s2 =	sld [smem:$0x3FD9]  }
0x89: {  	s3 =	sld [smem:$0x3FFE];
	_ =	sdelay $0x1  }
0x8a: {  	s1 =	srdreg.scid  }
0x8b: {  	s0 =	sand.u32 $0x1, s1  }
0x8c: {  	s17 =	sshll.u32 s0, $0xA;
	s2 =	sadd.s32 s3, s2  }
0x8d: {  	s2 =	sadd.s32 s2, s17  }
0x8e: {  	[smem:$0x3FC0] =	sst s2  }
0x8f: {  	_ = 	snop  }
0x90: {  	s2 =	sld [smem:$0x3FD0];
	(tm) =	ssettm $0x1  }
0x91: {  	s18 =	sld [smem:$0x3FFB];
	_ =	sdelay $0x3  }
0x92: {  	_ =	strace s18  }
0x93: {  	s3 =	sld [smem:$0x3FFC];
	_ =	sdelay $0x3  }
0x94: {  	_ =	strace s3  }
0x95: {  	s3 =	sld [smem:$0x3FFD];
	_ =	sdelay $0x3  }
0x96: {  	_ =	strace s3  }
0x97: {  	_ =	strace $0x8FFFFFFF  }
0x98: {  	s19 =	sld [smem:$0x3FDB];
	_ =	sdelay $0x1  }
0x99: {  	s4 =	simm.s32 $_scs_section_size  }
0x9a: {  	s5 =	simm.s32 $_size__tile_overlayer_lowered;
	s6 =	simm.s32 $_tile_overlayer_lowered  }
0x9b: {  	s22 =	simm.s32 $0x1BFF;
	s21 =	sshll.u32 s6, $0x1;
	s3 =	sadd.s32 s4, s19  }
0x9c: {  	s7 =	simm.s32 $0x0;
	s20 =	sshll.u32 s5, $0x1;
	s5 =	sadd.s32 s21, s3  }
0x9d: {  	[timem:s7], [sflag:s22] =	dma.local [hbm:s5], s20  }
0x9e: {  	_ =	swait.ge [sflag:s22], s20  }
0x9f: {  	s4 =	ssub.s32 $0x0, s20;
	[sflag:s22] =	ssyncset.done $0x0  }
0xa0: {  	[sflag:s22] =	ssyncadd.s32 s4;
	_ =	sdelay $0x1  }
0xa1: {  	s23 =	simm.s32 $0x1B8B  }
0xa2: {  	_ =	swait.ge [sflag:s23], $0x1  }
0xa3: {  	[sflag:s23] =	ssyncset.done $0x0  }
0xa4: {  	s25 =	simm.s32 $0x1B8E;
	s24 =	sld [smem:$0x3FFE];
	[sflag:s23] =	ssyncadd.s32 $0xFFFFFFFF  }
0xa5: {  	s26 =	simm.s32 $execute0_lowered;
	[smem:$0x3FD2] =	sst s25  }
0xa6: {  	s5 =	sshll.u32 s26, $0x1;
	_ =	strace $0x80000046;
	[dreg:$0x1] =	wrdreg $0xFFFFFFFF  }
0xa7: {  	s28 =	simm.s32 $_size_execute0_lowered;
	s3 =	sadd.s32 s3, s5;
	[dreg:$0x0] =	wrdreg $0x0  }
0xa8: {  	s5 =	sshll.u32 s28, $0x1;
	[dreg:$0x2] =	wrdreg s3  }
0xa9: {  	[dreg:$0x3] =	wrdreg s5  }
0xaa: {  	[dreg:$0x4] =	wrdreg $0xC0  }
0xab: {  	_ =	task [dreg:s7], $0x5FFFF  }
0xac: {  	[dreg:$0x1] =	wrdreg $0xFFFFFFFF  }
0xad: {  	[dreg:$0x0] =	wrdreg $0x60  }
0xae: {  	[dreg:$0x2] =	wrdreg s24  }
0xaf: {  	[dreg:$0x3] =	wrdreg s2  }
0xb0: {  	[dreg:$0x4] =	wrdreg $0x80800  }
0xb1: {  	[dreg:$0x5] =	wrdreg $0x9  }
0xb2: {  	_ =	task.clear_ibuf [dreg:s7], $0x6FFFF;
	_ =	strace $0x90000046  }
0xb3: {  	s29 =	simm.s32 $0x9;
	_ =	strace $0x80000048  }
0xb4: {  	_ =	swait.ge [sflag:s29], $0x1  }
0xb5: {  	[sflag:s29] =	ssyncadd.s32 $0xFFFFFFFF  }
0xb6: {  	_ =	strace $0x90000048  }
0xb7: {  	_ =	sfence  }
0xb8: {  	s30 =	sld [smem:$0x0];
	_ =	sdelay $0x2  }
0xb9: {  	s31 =	sshll.u32 s1, $0xD;
	s1 =	sshrl.u32 s1, $0x2  }
0xba: {  	s3 =	sand.u32 $0x4000, s31;
	s1 =	sadd.s32 s1, s30  }
0xbb: {  	s0 =	sor.u32 s3, s0;
	s1 =	sshll.u32 s1, $0x11  }
0xbc: {  	s0 =	sor.u32 s1, s0  }
0xbd: {  	s0 =	sadd.s32 $0x8F2B, s0  }
0xbe: {  	[sflag:s0] =	ssyncadd.remote.s32 $0x1  }
0xbf: {  	_ =	sfence.sel $0xFFFF  }
0xc0: {  	[dreg:$0x0] =	wrdreg $0xFFFFFFFF;
	(pc) =	sbr.abs _section_cstart, $3  }
0xc1: {  	[dreg:$0x1] =	wrdreg $0xFFFFFFFF  }
0xc2: {  	_ =	task.clear_ibuf [dreg:s7], $0x2FFFF;
	_ =	strace $0x9FFFFFFF  }
0xc3: {  	(tm) =	ssettm $0x7FFFFFFF  }
tec
execute0_lowered:
.L_overlay_start_1:
0x0: {  	(tag) =	ssettag $0x1  }
0x1: {  	s3 =	rddreg [dreg:$0x0]  }
0x2: {  	s7 =	rddreg [dreg:$0x1]  }
0x3: {  	s6 =	rddreg [dreg:$0x2]  }
0x4: {  	s0 =	rddreg [dreg:$0x3]  }
0x5: {  	s1 =	stileid.u32;
	s4 =	srdreg.scid  }
0x6: {  	s2 =	simm.s32 $0x0;
	s13 =	simm.s32 $0x1400;
	s14 =	simm.s32 $0x14000  }
0x7: {  	s15 =	simm.s32 $0x5600;
	s16 =	simm.s32 $0x7E00;
	s5 =	smul.u32 $0x2080, s1  }
0x8: {  	s17 =	simm.s32 $0x0;
	s8 =	sand.u32 $0x1, s4;
	s4 =	smul.u32 $0x2E00, s1  }
0x9: {  	[smem:$0x7FF] =	sst s2;
	s9 =	sshrl.u32 s1, $0x3;
	s30 =	smul.u32 $0x280, s1  }
0xa: {  	s11 =	sshll.u32 s1, $0x7;
	s12 =	smul.u32 $0x5000, s1;
	p0 =	seq.s32 s8, $0x0  }
0xb: {  	_ =	strace $0x80000047;
	s28 =	ssub.s32 $0x2, s8;
	s9 =	smul.u32 $0x50000, s9  }
0xc: {  	s8 =	smul.u32 $0x2800, s8;
	s11 =	sand.u32 $0x380, s11;
	s5 =	sadd.s32 $0x2E000, s5  }
0xd: {  	s29 =	sshrl.u32 s28, $0x1;
	s31 =	sshrl.u32 s12, $0x2;
	s12 =	simm.s32 $0x400  }
0xe: {  	s5 =	smov.u32 @p0 s4;
	s10 =	ssub.s32 s28, s29;
	s9 =	sshrl.u32 s9, $0x2  }
0xf: {  	s8 =	sadd.s32 s30, s8;
	s4 =	sshrl.u32 s5, $0x3;
	s9 =	sadd.s32 s9, s6  }
0x10: {  	s8 =	sshrl.u32 s8, $0x3;
	s6 =	sadd.s32 s31, s6;
	s4 =	sadd.s32 s4, s3  }
0x11: {  	s3 =	simm.s32 $0x2E0;
	s5 =	sadd.s32 s11, s9;
	s7 =	sadd.s32 s7, s8  }
0x12: {  	s8 =	smax.u32 s10, $0x1;
	s9 =	simm.s32 $0x1;
	s10 =	simm.s32 $0x2E00  }
0x13: {  	v0 =	vimm.f32 $0.0e+00;
	v1 =	vimm.f32 $1.000000000e+00;
	s11 =	simm.s32 $0x80;
	s4 =	sadd.s32 $0x1C00, s4;
	s3 =	simm.s32 @!p0 $0x208  }
.LBB2_1:
0x14: {  	s18 =	simm.s32 $0x40;
	s19 =	simm.s32 $0x0  }
.LBB2_2:
0x15: {  	p0 =	sne.s32 s18, $0x9FC0;
	[tilespmem:s19+$0x2E00] =	vst v0;
	s19 =	smov.u32 s18;
	s18 =	sadd.s32 $0x40, s18  }
.Ltmp0:
0x16: {  	(pc) =	sbr.rel @p0 .LBB2_2-.Ltmp0, $2  }
0x17: {  	_ =	sdelay $0x2  }
0x18: {  	s19 =	sshra.s32 s19, $0x2  }
0x19: {  	[tilespmem:s19+$0x2E00] =	vst v0;
	s18 =	simm.s32 $0x0;
	p0 =	sne.s32 s3, $0x1  }
0x1a: {  	[tilespmem:s18], [sflag:$0x1] =	stream.linear.gather [hbm4b:s4+s18], $0x2E00, $0x38;
	[tilespmem:$0xA880] =	vst v63  }
.Ltmp1:
0x1b: {  	_ = 	snop;
	(pc) =	sbr.rel @!p0 .LBB2_5-.Ltmp1, $4  }
0x1c: {  	_ =	swait.ge [sflag:s9], $0x2E00  }
0x1d: {  	[sflag:s9] =	ssyncset.done $0x0  }
0x1e: {  	[sflag:s9] =	ssyncadd.s32 $0xFFFFD200  }
0x1f: {  	s19 =	sadd.s32 $0xFFFFFFFF, s3;
	s20 =	simm.s32 $0x0;
	v2 =	vld [tilespmem:s18+$0x0]  }
.LBB2_4:
0x20: {  	p0 =	sne.s32 s19, $0x1;
	_ =	sdelay $0x3  }
.Ltmp2:
0x21: {  	(pc) =	sbr.rel @p0 .LBB2_4-.Ltmp2, $3  }
0x22: {  	_ =	sdelay $0x1  }
0x23: {  	s20 =	sadd.s32 $0x10, s20;
	[tilespmem:v2+s10+$0x0] =	vst.idx.add.f32.msk $0xffff, v1  }
0x24: {  	s19 =	sadd.s32 $0xFFFFFFFF, s19;
	v2 =	vld [tilespmem:s20+$0x0]  }
.LBB2_5:
0x25: {  	_ =	sdelay $0x7  }
0x26: {  	[tilespmem:v2+s10+$0x0] =	vst.idx.add.f32.msk $0xffff, v1  }
0x27: {  	[spmem:s5] =	stream.strided.scatter [tilespmem:s10], [sflag:$0x1], $0x2800, s12, s11, $0x38;
	[tilespmem:$0xA880] =	vst v63  }
0x28: {  	_ =	swait.ge [sflag:s9], $0x2800  }
0x29: {  	[sflag:s9] =	ssyncset.done $0x0  }
0x2a: {  	[sflag:s9] =	ssyncadd.s32 $0xFFFFD800  }
0x2b: {  	[bflag:$0x0] =	sbarrier.arrive $0xFFFF  }
0x2c: {  	[tilespmem:s15], [sflag:$0x1] =	stream.strided.gather [spmem:s6], $0x2800, s14, s13, $0x38;
	[tilespmem:$0xA880] =	vst v63  }
0x2d: {  	_ =	swait.ge [sflag:s9], $0x2800  }
0x2e: {  	s19 =	sand.u32 $0x70, s18;
	s31 =	sand.u32 $0x1C00, s18;
	[sflag:s9] =	ssyncset.done $0x0  }
0x2f: {  	s18 =	sor.u32 s19, s31;
	[sflag:s9] =	ssyncadd.s32 $0xFFFFD800  }
0x30: {  	v2 =	vld [tilespmem:s18+$0x5600];
	_ =	sdelay $0x1  }
0x31: {  	v3 =	vld [tilespmem:s18+$0x5680];
	_ =	sdelay $0x1  }
0x32: {  	v4 =	vld [tilespmem:s18+$0x5700]  }
0x33: {  	v2 =	vadd.f32 $0.0e+00, v2  }
0x34: {  	v5 =	vld [tilespmem:s18+$0x5780]  }
0x35: {  	v2 =	vadd.f32 v3, v2  }
0x36: {  	v3 =	vld [tilespmem:s18+$0x5800]  }
0x37: {  	v2 =	vadd.f32 v4, v2  }
0x38: {  	v56 =	vld [tilespmem:s18+$0x5880]  }
0x39: {  	v2 =	vadd.f32 v5, v2  }
0x3a: {  	v57 =	vld [tilespmem:s18+$0x5900]  }
0x3b: {  	v2 =	vadd.f32 v3, v2  }
0x3c: {  	v3 =	vld [tilespmem:s18+$0x5980]  }
0x3d: {  	v2 =	vadd.f32 v56, v2  }
0x3e: {  	v58 =	vld [tilespmem:s18+$0x6A00]  }
0x3f: {  	v2 =	vadd.f32 v57, v2  }
0x40: {  	v59 =	vld [tilespmem:s18+$0x6A80]  }
0x41: {  	v2 =	vadd.f32 v3, v2  }
0x42: {  	v3 =	vld [tilespmem:s18+$0x6B00]  }
0x43: {  	v2 =	vadd.f32 v58, v2  }
0x44: {  	v60 =	vld [tilespmem:s18+$0x6B80]  }
0x45: {  	v2 =	vadd.f32 v59, v2  }
0x46: {  	v61 =	vld [tilespmem:s18+$0x6C00]  }
0x47: {  	v2 =	vadd.f32 v3, v2  }
0x48: {  	v3 =	vld [tilespmem:s18+$0x6C80]  }
0x49: {  	v2 =	vadd.f32 v60, v2  }
0x4a: {  	v62 =	vld [tilespmem:s18+$0x6D00]  }
0x4b: {  	v2 =	vadd.f32 v61, v2  }
0x4c: {  	v63 =	vld [tilespmem:s18+$0x6D80]  }
0x4d: {  	v2 =	vadd.f32 v3, v2;
	_ =	sdelay $0x1  }
0x4e: {  	v2 =	vadd.f32 v62, v2  }
0x4f: {  	s20 =	simm.s32 $0x10  }
0x50: {  	s19 =	simm.s32 $0x80;
	s21 =	sand.u32 $0x70, s20;
	v2 =	vadd.f32 v63, v2  }
0x51: {  	s20 =	simm.s32 $0x20;
	s22 =	sand.u32 $0x1C00, s19;
	s18 =	simm.s32 $0x7E00  }
.LBB2_6:
0x52: {  	p0 =	sne.s32 s20, $0x270;
	s21 =	sor.u32 s21, s22;
	[tilespmem:s18+$0x0] =	vst v2  }
0x53: {  	v2 =	vld [tilespmem:s21+$0x5600];
	_ =	sdelay $0x1  }
0x54: {  	v3 =	vld [tilespmem:s21+$0x5680];
	_ =	sdelay $0x1  }
0x55: {  	v4 =	vld [tilespmem:s21+$0x5700]  }
0x56: {  	v2 =	vadd.f32 $0.0e+00, v2  }
0x57: {  	v5 =	vld [tilespmem:s21+$0x5780]  }
0x58: {  	v2 =	vadd.f32 v3, v2  }
0x59: {  	v3 =	vld [tilespmem:s21+$0x5800]  }
0x5a: {  	v2 =	vadd.f32 v4, v2  }
0x5b: {  	v4 =	vld [tilespmem:s21+$0x5880]  }
0x5c: {  	v2 =	vadd.f32 v5, v2  }
0x5d: {  	v5 =	vld [tilespmem:s21+$0x5900]  }
0x5e: {  	v2 =	vadd.f32 v3, v2  }
0x5f: {  	v3 =	vld [tilespmem:s21+$0x5980]  }
0x60: {  	v2 =	vadd.f32 v4, v2  }
0x61: {  	v4 =	vld [tilespmem:s21+$0x6A00]  }
0x62: {  	v2 =	vadd.f32 v5, v2  }
0x63: {  	v5 =	vld [tilespmem:s21+$0x6A80]  }
0x64: {  	v2 =	vadd.f32 v3, v2  }
0x65: {  	v3 =	vld [tilespmem:s21+$0x6B00]  }
0x66: {  	v2 =	vadd.f32 v4, v2  }
0x67: {  	v4 =	vld [tilespmem:s21+$0x6B80]  }
0x68: {  	v2 =	vadd.f32 v5, v2  }
0x69: {  	v5 =	vld [tilespmem:s21+$0x6C00]  }
0x6a: {  	v2 =	vadd.f32 v3, v2  }
0x6b: {  	v3 =	vld [tilespmem:s21+$0x6C80]  }
0x6c: {  	v2 =	vadd.f32 v4, v2  }
0x6d: {  	v4 =	vld [tilespmem:s21+$0x6D00]  }
0x6e: {  	v2 =	vadd.f32 v5, v2  }
0x6f: {  	v5 =	vld [tilespmem:s21+$0x6D80]  }
0x70: {  	v2 =	vadd.f32 v3, v2  }
.Ltmp3:
0x71: {  	(pc) =	sbr.rel @p0 .LBB2_6-.Ltmp3, $3  }
0x72: {  	v2 =	vadd.f32 v4, v2;
	_ =	sdelay $0x1  }
0x73: {  	s19 =	sadd.s32 $0x80, s19;
	s18 =	sadd.s32 $0x10, s18;
	v2 =	vadd.f32 v5, v2  }
0x74: {  	s22 =	sand.u32 $0x1C00, s19;
	s21 =	sand.u32 $0x70, s20;
	s20 =	sadd.s32 $0x10, s20  }
0x75: {  	s19 =	sor.u32 s21, s22;
	[tilespmem:s18+$0x0] =	vst v2  }
0x76: {  	v2 =	vld [tilespmem:s19+$0x5600];
	_ =	sdelay $0x1  }
0x77: {  	v3 =	vld [tilespmem:s19+$0x5680];
	_ =	sdelay $0x1  }
0x78: {  	v4 =	vld [tilespmem:s19+$0x5700]  }
0x79: {  	v2 =	vadd.f32 $0.0e+00, v2  }
0x7a: {  	v5 =	vld [tilespmem:s19+$0x5780]  }
0x7b: {  	v2 =	vadd.f32 v3, v2  }
0x7c: {  	v3 =	vld [tilespmem:s19+$0x5800]  }
0x7d: {  	v2 =	vadd.f32 v4, v2  }
0x7e: {  	v56 =	vld [tilespmem:s19+$0x5880]  }
0x7f: {  	v2 =	vadd.f32 v5, v2  }
0x80: {  	v57 =	vld [tilespmem:s19+$0x5900]  }
0x81: {  	v2 =	vadd.f32 v3, v2  }
0x82: {  	v3 =	vld [tilespmem:s19+$0x5980]  }
0x83: {  	v2 =	vadd.f32 v56, v2  }
0x84: {  	v58 =	vld [tilespmem:s19+$0x6A00]  }
0x85: {  	v2 =	vadd.f32 v57, v2  }
0x86: {  	v59 =	vld [tilespmem:s19+$0x6A80]  }
0x87: {  	v2 =	vadd.f32 v3, v2  }
0x88: {  	v3 =	vld [tilespmem:s19+$0x6B00]  }
0x89: {  	v2 =	vadd.f32 v58, v2  }
0x8a: {  	v60 =	vld [tilespmem:s19+$0x6B80]  }
0x8b: {  	v2 =	vadd.f32 v59, v2  }
0x8c: {  	v61 =	vld [tilespmem:s19+$0x6C00]  }
0x8d: {  	v2 =	vadd.f32 v3, v2  }
0x8e: {  	v3 =	vld [tilespmem:s19+$0x6C80]  }
0x8f: {  	v2 =	vadd.f32 v60, v2  }
0x90: {  	v62 =	vld [tilespmem:s19+$0x6D00]  }
0x91: {  	v2 =	vadd.f32 v61, v2  }
0x92: {  	v63 =	vld [tilespmem:s19+$0x6D80]  }
0x93: {  	v2 =	vadd.f32 v3, v2;
	_ =	sdelay $0x1  }
0x94: {  	v2 =	vadd.f32 v62, v2;
	_ =	sdelay $0x1  }
0x95: {  	s17 =	sadd.s32 $0x1, s17;
	v2 =	vadd.f32 v63, v2  }
0x96: {  	s31 =	sadd.s32 $0x10, s18;
	p0 =	sne.s32 s17, s8  }
.Ltmp4:
0x97: {  	[tilespmem:s31+$0x0] =	vst v2;
	(pc) =	sbr.rel @p0 .LBB2_1-.Ltmp4, $4  }
0x98: {  	[hbm4b:s7+s2] =	stream.linear.scatter [tilespmem:s16], [sflag:$0x1], $0x280, $0x38;
	[tilespmem:$0xA880] =	vst v63  }
0x99: {  	_ =	swait.ge [sflag:s9], $0x280  }
0x9a: {  	[sflag:s9] =	ssyncset.done $0x0  }
0x9b: {  	[sflag:s9] =	ssyncadd.s32 $0xFFFFFD80  }
0x9c: {  	_ =	sfence.sel $0x180000  }
0x9d: {  	[bflag:$0x0] =	sbarrier.arrive $0xFFFF  }
0x9e: {  	p0 =	sne.s32 s1, $0x0;
	_ =	strace $0x90000047  }
0x9f: {  	s0 =	sadd.s32 @!p0 $0x100000, s0;
	[bflag:$0x2] =	sbarrier.arrive $0xFFFF  }
0xa0: {  	[sflag:s0] =	ssyncadd.tile.s32 @!p0 $0x1;
	_ =	shalt  }
.Lfunc_end2:
_tile_overlayer_lowered:
.L_overlay_start_2:
0xa1: {  	(tag) =	ssettag $0x2  }
0xa2: {  	s0 =	rddreg [dreg:$0x0];
	s2 =	stileid.u32  }
0xa3: {  	s1 =	rddreg [dreg:$0x1];
	p0 =	sne.s32 s2, $0x0  }
0xa4: {  	s3 =	rddreg [dreg:$0x2];
	[bflag:$0x3] =	sbarrier.arrive $0xFFFF;
	s2 =	simm.s32 @!p0 $0x1C01  }
0xa5: {  	[timem:s3], [sflag:s2] =	dma.local @!p0 [hbm:s0], s1  }
0xa6: {  	s0 =	simm.s32 @!p0 $0x1  }
0xa7: {  	_ =	swait.ge @!p0 [sflag:s0], s1  }
0xa8: {  	s1 =	ssub.s32 @!p0 $0x0, s1;
	[sflag:s0] =	ssyncset.done @!p0 $0x0  }
0xa9: {  	[sflag:s0] =	ssyncadd.s32 @!p0 s1  }
0xaa: {  	[bflag:$0x3] =	sbarrier.arrive $0xFFFF  }
0xab: {  	_ =	shalt  }

</sc_bundles>
